<compile_context>
chip_gen: v7x
topology: tpu7x:2x2x1
jax: 0.10.2.dev20260603
libtpu: 0.0.44.dev20260713+nightly
codegen_flags: <defaults>
</compile_context>

<pallas_src>
import functools

import numpy as np
import jax
import jax.numpy as jnp
from jax import lax
from jax.experimental import pallas as pl
from jax.experimental.pallas import tpu as pltpu
from jax.experimental.pallas import tpu_sc as plsc

_B, _D, _K = 512, 256, 1024
_SIDE = 32
_SCALE = float(1.0 / (2.0 * np.sqrt(2.0 * np.pi)))
_NC, _NS, _L = 2, 16, 16
_NW = _NC * _NS
_RPW = _B // _NW


def _tc_body(x_ref, w_ref, n2ec_ref, er_ref):
    x = x_ref[...]
    w = w_ref[...]
    xw = lax.dot_general(
        x, w, (((1,), (0,)), ((), ())),
        preferred_element_type=jnp.float32,
        precision=lax.Precision.HIGHEST,
    )
    x2 = jnp.sum(x * x, axis=1, keepdims=True)
    w2 = jnp.sum(w * w, axis=0, keepdims=True)
    norms2 = (x2 + w2) - 2.0 * xw
    kidx = lax.broadcasted_iota(jnp.int32, (_B, _K), 1)
    minv = jnp.min(norms2, axis=1, keepdims=True)
    wta = jnp.min(jnp.where(norms2 <= minv, kidx, _K), axis=1, keepdims=True)

    wr = (wta >> 5).astype(jnp.float32)
    wc = (wta & 31).astype(jnp.float32)
    dc = (kidx & 31).astype(jnp.float32) - wc
    n2ec_ref[...] = norms2 * (jnp.exp(-0.125 * (dc * dc)) * _SCALE)

    j32 = lax.broadcasted_iota(jnp.int32, (_B, _SIDE), 1).astype(jnp.float32)
    dr = j32 - wr
    er_ref[...] = jnp.exp(-0.125 * (dr * dr))


@functools.partial(
    pl.kernel,
    mesh=plsc.VectorSubcoreMesh(core_axis_name="c", subcore_axis_name="s"),
    out_type=jax.ShapeDtypeStruct((_B, _K), jnp.float32),
    scratch_types=[
        pltpu.VMEM((_RPW, _SIDE), jnp.float32),
        pltpu.VMEM((_RPW, _K), jnp.float32),
        pltpu.VMEM((_RPW, _K), jnp.float32),
        pltpu.SemaphoreType.DMA,
        pltpu.SemaphoreType.DMA,
        pltpu.SemaphoreType.DMA,
    ],
    compiler_params=pltpu.CompilerParams(
        needs_layout_passes=False,
    ),
)
def _sc_radial(n2ec_hbm, er_hbm, out_hbm, er_v, n2_v, out_v,
               sem_a, sem_b, sem_out):
    wid = lax.axis_index("s") * _NC + lax.axis_index("c")
    base = wid * _RPW
    half_rows = _RPW // 2
    h_a = pltpu.async_copy(
        n2ec_hbm.at[pl.ds(base, half_rows)],
        n2_v.at[pl.ds(0, half_rows)], sem_a)
    h_b = pltpu.async_copy(
        n2ec_hbm.at[pl.ds(base + half_rows, half_rows)],
        n2_v.at[pl.ds(half_rows, half_rows)], sem_b)
    pltpu.sync_copy(er_hbm.at[pl.ds(base, _RPW)], er_v)

    def row_body(i, carry):
        er_lo = er_v[i, pl.ds(0, _L)]
        er_hi = er_v[i, pl.ds(_L, _L)]
        for r in range(_SIDE):
            half = er_lo if r < _L else er_hi
            er_b = jnp.broadcast_to(half[r % _L], (_L,))
            off = r * _SIDE
            out_v[i, pl.ds(off, _L)] = n2_v[i, pl.ds(off, _L)] * er_b
            out_v[i, pl.ds(off + _L, _L)] = n2_v[i, pl.ds(off + _L, _L)] * er_b
        return carry

    h_a.wait()
    lax.fori_loop(0, half_rows, row_body, 0)
    h_out = pltpu.async_copy(
        out_v.at[pl.ds(0, half_rows)],
        out_hbm.at[pl.ds(base, half_rows)], sem_out)
    h_b.wait()
    lax.fori_loop(half_rows, _RPW, row_body, 0)
    h_out.wait()
    pltpu.sync_copy(
        out_v.at[pl.ds(half_rows, half_rows)],
        out_hbm.at[pl.ds(base + half_rows, half_rows)])


def kernel(x, kernel):
    n2ec, er = pl.pallas_call(
        _tc_body,
        out_shape=(
            jax.ShapeDtypeStruct((_B, _K), jnp.float32),
            jax.ShapeDtypeStruct((_B, _SIDE), jnp.float32),
        ),
    )(x, kernel)
    return _sc_radial(n2ec, er)

# --- scband reference (transcript-rebuilt; emitter-appended) ---
"""Pipeline reference for scband-smstm-38405597561130 (READ-ONLY COPY).

The authoritative reference and input builder live on the scoring server;
editing this copy changes nothing except your own understanding.
"""

import jax, jax.numpy as jnp
import numpy as np

INPUT_SIZE = 256
OUTPUT_SIZE = 1024
SIGMA = 2.0
BATCH = 512
SIDE = float(np.sqrt(OUTPUT_SIZE))  # 32.0


def make_grid(side):
    r = jnp.arange(0, side, dtype=jnp.float32)
    gx, gy = jnp.meshgrid(r, r, indexing='ij')
    return jnp.stack([gx.ravel(), gy.ravel()], axis=1)  # [side*side, 2], cartesian_prod order


def radial2d(mean, sigma, size):
    grid_points = make_grid(np.sqrt(size))  # [K, 2]
    diff = grid_points[None, :, :] - mean[:, None, :]  # [B, K, 2]
    radial_basis = jnp.exp(-0.5 * (sigma ** -2) * jnp.sum(diff ** 2, axis=-1))
    return radial_basis


def setup_inputs(seed: int = 0) -> dict:
    key = jax.random.key(seed)
    k1, k2 = jax.random.split(key)
    x = jax.random.normal(k1, (BATCH, INPUT_SIZE), dtype=jnp.float32)
    # xavier_normal_ for kernel [input_size, output_size], gain=1.0
    std = float(np.sqrt(2.0 / (INPUT_SIZE + OUTPUT_SIZE)))
    kernel = jax.random.normal(k2, (INPUT_SIZE, OUTPUT_SIZE), dtype=jnp.float32) * std
    return {"x": x, "kernel": kernel}


def reference(x, kernel):
    # norms: ||x_b - w_k|| over feature dim -> [B, K]; norms2 = norms^2
    diff = x[:, :, None] - kernel[None, :, :]  # [B, D, K]
    norms2 = jnp.sum(diff ** 2, axis=1)  # [B, K]
    # winner-take-all index (detached in original)
    wta = jax.lax.stop_gradient(jnp.argmin(norms2, axis=-1).astype(jnp.float32))  # [B]
    wta_pts = jnp.stack([jnp.floor(wta / SIDE), jnp.mod(wta, SIDE)], axis=0).T  # [B, 2]
    radials = radial2d(wta_pts, SIGMA, OUTPUT_SIZE)  # [B, K]
    radials = radials / (SIGMA * np.sqrt(np.pi * 2))
    return radials * norms2

if __name__ == "__main__":
    import jax
    _d = setup_inputs()
    print(jax.jit(kernel)(*tuple(_d.values())))

</pallas_src>

<mosaic_0001>
#map = affine_map<(d0, d1) -> (0, 0)>
module attributes {stable_mosaic.version = 14 : i64} {
  func.func @_sc_radial(%arg0: i32, %arg1: i32, %arg2: memref<512x1024xf32, #tpu.memory_space<hbm>>, %arg3: memref<512x32xf32, #tpu.memory_space<hbm>>, %arg4: memref<512x1024xf32, #tpu.memory_space<hbm>>, %arg5: memref<16x32xf32, #tpu.memory_space<vmem>>, %arg6: memref<16x1024xf32, #tpu.memory_space<vmem>>, %arg7: memref<16x1024xf32, #tpu.memory_space<vmem>>, %arg8: memref<!tpu.dma_semaphore, #tpu.memory_space<semaphore_mem>>, %arg9: memref<!tpu.dma_semaphore, #tpu.memory_space<semaphore_mem>>, %arg10: memref<!tpu.dma_semaphore, #tpu.memory_space<semaphore_mem>>) attributes {dimension_semantics = [#tpu.dimension_semantics<core_parallel>, #tpu.dimension_semantics<subcore_parallel>], iteration_bounds = array<i64: 2, 16>, scalar_prefetch = 0 : i64, scratch_operands = 6 : i64, tpu.core_type = #tpu.core_type<sc_vector_subcore>, window_params = [{transform_indices = #map}, {transform_indices = #map}, {transform_indices = #map}]} {
    %mul3A = arith.constant 2 : i32
    %mul3A_0 = arith.muli %arg1, %mul3A : i32
    %add3A = arith.addi %mul3A_0, %arg0 : i32
    %mul3A_1 = arith.constant 16 : i32
    %mul3A_2 = arith.muli %add3A, %mul3A_1 : i32
    %dma_start3A = arith.constant 0 : i32
    %dma_start3A_3 = arith.constant 0 : i32
    %dma_start3A_4 = tpu.memref_slice %arg6[%dma_start3A, %dma_start3A_3] : memref<16x1024xf32, #tpu.memory_space<vmem>> -> memref<8x1024xf32, #tpu.memory_space<vmem>>
    %dma_start3A_5 = arith.constant 0 : i32
    %dma_start3A_6 = tpu.memref_slice %arg2[%mul3A_2, %dma_start3A_5] : memref<512x1024xf32, #tpu.memory_space<hbm>> -> memref<8x1024xf32, #tpu.memory_space<hbm>>
    %dma_start3A_7 = arith.constant 0 : i32
    %dma_start3A_8 = arith.constant 0 : i32
    %dma_start3A_9 = tpu.memref_slice %arg6[%dma_start3A_7, %dma_start3A_8] : memref<16x1024xf32, #tpu.memory_space<vmem>> -> memref<8x1024xf32, #tpu.memory_space<vmem>>
    %dma_start3A_10 = arith.constant 0 : i32
    %dma_start3A_11 = tpu.memref_slice %arg2[%mul3A_2, %dma_start3A_10] : memref<512x1024xf32, #tpu.memory_space<hbm>> -> memref<8x1024xf32, #tpu.memory_space<hbm>>
    tpu.enqueue_dma source(%dma_start3A_11 : memref<8x1024xf32, #tpu.memory_space<hbm>>) target(%dma_start3A_9 : memref<8x1024xf32, #tpu.memory_space<vmem>>) target_semaphore(%arg8 : memref<!tpu.dma_semaphore, #tpu.memory_space<semaphore_mem>>)
    %add3A_12 = arith.constant 8 : i32
    %add3A_13 = arith.addi %mul3A_2, %add3A_12 : i32
    %dma_start3A_14 = arith.constant 8 : i32
    %dma_start3A_15 = arith.constant 0 : i32
    %dma_start3A_16 = tpu.memref_slice %arg6[%dma_start3A_14, %dma_start3A_15] : memref<16x1024xf32, #tpu.memory_space<vmem>> -> memref<8x1024xf32, #tpu.memory_space<vmem>>
    %dma_start3A_17 = arith.constant 0 : i32
    %dma_start3A_18 = tpu.memref_slice %arg2[%add3A_13, %dma_start3A_17] : memref<512x1024xf32, #tpu.memory_space<hbm>> -> memref<8x1024xf32, #tpu.memory_space<hbm>>
    %dma_start3A_19 = arith.constant 8 : i32
    %dma_start3A_20 = arith.constant 0 : i32
    %dma_start3A_21 = tpu.memref_slice %arg6[%dma_start3A_19, %dma_start3A_20] : memref<16x1024xf32, #tpu.memory_space<vmem>> -> memref<8x1024xf32, #tpu.memory_space<vmem>>
    %dma_start3A_22 = arith.constant 0 : i32
    %dma_start3A_23 = tpu.memref_slice %arg2[%add3A_13, %dma_start3A_22] : memref<512x1024xf32, #tpu.memory_space<hbm>> -> memref<8x1024xf32, #tpu.memory_space<hbm>>
    tpu.enqueue_dma source(%dma_start3A_23 : memref<8x1024xf32, #tpu.memory_space<hbm>>) target(%dma_start3A_21 : memref<8x1024xf32, #tpu.memory_space<vmem>>) target_semaphore(%arg9 : memref<!tpu.dma_semaphore, #tpu.memory_space<semaphore_mem>>)
    "tpu.region"() ({
      %run_scoped3A = tpu.sem_alloc : memref<!tpu.dma_semaphore, #tpu.memory_space<semaphore_mem>>
      %dma_start3A_76 = arith.constant 0 : i32
      %dma_start3A_77 = tpu.memref_slice %arg3[%mul3A_2, %dma_start3A_76] : memref<512x32xf32, #tpu.memory_space<hbm>> -> memref<16x32xf32, #tpu.memory_space<hbm>>
      %dma_start3A_78 = arith.constant 0 : i32
      %dma_start3A_79 = tpu.memref_slice %arg3[%mul3A_2, %dma_start3A_78] : memref<512x32xf32, #tpu.memory_space<hbm>> -> memref<16x32xf32, #tpu.memory_space<hbm>>
      tpu.enqueue_dma source(%dma_start3A_79 : memref<16x32xf32, #tpu.memory_space<hbm>>) target(%arg5 : memref<16x32xf32, #tpu.memory_space<vmem>>) target_semaphore(%run_scoped3A : memref<!tpu.dma_semaphore, #tpu.memory_space<semaphore_mem>>)
      %dma_wait3A_80 = arith.constant 0 : i32
      %dma_wait3A_81 = tpu.memref_slice %arg3[%mul3A_2, %dma_wait3A_80] : memref<512x32xf32, #tpu.memory_space<hbm>> -> memref<16x32xf32, #tpu.memory_space<hbm>>
      %dma_wait3A_82 = arith.constant 0 : i32
      %dma_wait3A_83 = tpu.memref_slice %arg3[%mul3A_2, %dma_wait3A_82] : memref<512x32xf32, #tpu.memory_space<hbm>> -> memref<16x32xf32, #tpu.memory_space<hbm>>
      tpu.wait_dma2 semaphore(%run_scoped3A : memref<!tpu.dma_semaphore, #tpu.memory_space<semaphore_mem>>) src(%dma_wait3A_83 : memref<16x32xf32, #tpu.memory_space<hbm>>) dst(%arg5 : memref<16x32xf32, #tpu.memory_space<vmem>>)
      tpu.yield
    }) : () -> ()
    %dma_wait3A = arith.constant 0 : i32
    %dma_wait3A_24 = arith.constant 0 : i32
    %dma_wait3A_25 = tpu.memref_slice %arg6[%dma_wait3A, %dma_wait3A_24] : memref<16x1024xf32, #tpu.memory_space<vmem>> -> memref<8x1024xf32, #tpu.memory_space<vmem>>
    %dma_wait3A_26 = arith.constant 0 : i32
    %dma_wait3A_27 = tpu.memref_slice %arg2[%mul3A_2, %dma_wait3A_26] : memref<512x1024xf32, #tpu.memory_space<hbm>> -> memref<8x1024xf32, #tpu.memory_space<hbm>>
    %dma_wait3A_28 = arith.constant 0 : i32
    %dma_wait3A_29 = arith.constant 0 : i32
    %dma_wait3A_30 = tpu.memref_slice %arg6[%dma_wait3A_28, %dma_wait3A_29] : memref<16x1024xf32, #tpu.memory_space<vmem>> -> memref<8x1024xf32, #tpu.memory_space<vmem>>
    %dma_wait3A_31 = arith.constant 0 : i32
    %dma_wait3A_32 = tpu.memref_slice %arg2[%mul3A_2, %dma_wait3A_31] : memref<512x1024xf32, #tpu.memory_space<hbm>> -> memref<8x1024xf32, #tpu.memory_space<hbm>>
    tpu.wait_dma2 semaphore(%arg8 : memref<!tpu.dma_semaphore, #tpu.memory_space<semaphore_mem>>) src(%dma_wait3A_32 : memref<8x1024xf32, #tpu.memory_space<hbm>>) dst(%dma_wait3A_30 : memref<8x1024xf32, #tpu.memory_space<vmem>>)
    %scan3A = arith.constant 0 : i32
    %scan3A_33 = arith.constant 0 : i32
    %scan3A_34 = arith.constant 8 : i32
    %scan3A_35 = arith.addi %scan3A_33, %scan3A_34 : i32
    %scan3A_36 = arith.constant 1 : i32
    scf.for %scan3A_76 = %scan3A_33 to %scan3A_35 step %scan3A_36  : i32 {
      %get3A = arith.index_cast %scan3A_76 : i32 to index
      %get3A_77 = arith.constant 0 : index
      %get3A_78 = tpu.vector_load %arg5[%get3A, %get3A_77] {strides = array<i32>} : memref<16x32xf32, #tpu.memory_space<vmem>>, vector<16xf32>,
      %get3A_79 = arith.index_cast %scan3A_76 : i32 to index
      %get3A_80 = arith.constant 16 : index
      %get3A_81 = tpu.vector_load %arg5[%get3A_79, %get3A_80] {strides = array<i32>} : memref<16x32xf32, #tpu.memory_space<vmem>>, vector<16xf32>,
      %slice3A = vector.extract_strided_slice %get3A_78 {offsets = [0], sizes = [1], strides = [1]} : vector<16xf32> to vector<1xf32>
      %squeeze3A = vector.extract %slice3A[0] : f32 from vector<1xf32>
      %broadcast_in_dim3A = vector.broadcast %squeeze3A : f32 to vector<16xf32>
      %get3A_82 = arith.index_cast %scan3A_76 : i32 to index
      %get3A_83 = arith.constant 0 : index
      %get3A_84 = tpu.vector_load %arg6[%get3A_82, %get3A_83] {strides = array<i32>} : memref<16x1024xf32, #tpu.memory_space<vmem>>, vector<16xf32>,
      %mul3A_85 = arith.mulf %get3A_84, %broadcast_in_dim3A : vector<16xf32>
      %swap3A = arith.index_cast %scan3A_76 : i32 to index
      %swap3A_86 = arith.constant 0 : index
      %swap3A_87 = tpu.vector_load %arg7[%swap3A, %swap3A_86] {strides = array<i32>} : memref<16x1024xf32, #tpu.memory_space<vmem>>, vector<16xf32>,
      tpu.vector_store %arg7[%swap3A, %swap3A_86], %mul3A_85 {strides = array<i32>} : memref<16x1024xf32, #tpu.memory_space<vmem>>, vector<16xf32>,
      %get3A_88 = arith.index_cast %scan3A_76 : i32 to index
      %get3A_89 = arith.constant 16 : index
      %get3A_90 = tpu.vector_load %arg6[%get3A_88, %get3A_89] {strides = array<i32>} : memref<16x1024xf32, #tpu.memory_space<vmem>>, vector<16xf32>,
      %mul3A_91 = arith.mulf %get3A_90, %broadcast_in_dim3A : vector<16xf32>
      %swap3A_92 = arith.index_cast %scan3A_76 : i32 to index
      %swap3A_93 = arith.constant 16 : index
      %swap3A_94 = tpu.vector_load %arg7[%swap3A_92, %swap3A_93] {strides = array<i32>} : memref<16x1024xf32, #tpu.memory_space<vmem>>, vector<16xf32>,
      tpu.vector_store %arg7[%swap3A_92, %swap3A_93], %mul3A_91 {strides = array<i32>} : memref<16x1024xf32, #tpu.memory_space<vmem>>, vector<16xf32>,
      %slice3A_95 = vector.extract_strided_slice %get3A_78 {offsets = [1], sizes = [1], strides = [1]} : vector<16xf32> to vector<1xf32>
      %squeeze3A_96 = vector.extract %slice3A_95[0] : f32 from vector<1xf32>
      %broadcast_in_dim3A_97 = vector.broadcast %squeeze3A_96 : f32 to vector<16xf32>
      %get3A_98 = arith.index_cast %scan3A_76 : i32 to index
      %get3A_99 = arith.constant 32 : index
      %get3A_100 = tpu.vector_load %arg6[%get3A_98, %get3A_99] {strides = array<i32>} : memref<16x1024xf32, #tpu.memory_space<vmem>>, vector<16xf32>,
      %mul3A_101 = arith.mulf %get3A_100, %broadcast_in_dim3A_97 : vector<16xf32>
      %swap3A_102 = arith.index_cast %scan3A_76 : i32 to index
      %swap3A_103 = arith.constant 32 : index
      %swap3A_104 = tpu.vector_load %arg7[%swap3A_102, %swap3A_103] {strides = array<i32>} : memref<16x1024xf32, #tpu.memory_space<vmem>>, vector<16xf32>,
      tpu.vector_store %arg7[%swap3A_102, %swap3A_103], %mul3A_101 {strides = array<i32>} : memref<16x1024xf32, #tpu.memory_space<vmem>>, vector<16xf32>,
      %get3A_105 = arith.index_cast %scan3A_76 : i32 to index
      %get3A_106 = arith.constant 48 : index
      %get3A_107 = tpu.vector_load %arg6[%get3A_105, %get3A_106] {strides = array<i32>} : memref<16x1024xf32, #tpu.memory_space<vmem>>, vector<16xf32>,
      %mul3A_108 = arith.mulf %get3A_107, %broadcast_in_dim3A_97 : vector<16xf32>
      %swap3A_109 = arith.index_cast %scan3A_76 : i32 to index
      %swap3A_110 = arith.constant 48 : index
      %swap3A_111 = tpu.vector_load %arg7[%swap3A_109, %swap3A_110] {strides = array<i32>} : memref<16x1024xf32, #tpu.memory_space<vmem>>, vector<16xf32>,
      tpu.vector_store %arg7[%swap3A_109, %swap3A_110], %mul3A_108 {strides = array<i32>} : memref<16x1024xf32, #tpu.memory_space<vmem>>, vector<16xf32>,
      %slice3A_112 = vector.extract_strided_slice %get3A_78 {offsets = [2], sizes = [1], strides = [1]} : vector<16xf32> to vector<1xf32>
      %squeeze3A_113 = vector.extract %slice3A_112[0] : f32 from vector<1xf32>
      %broadcast_in_dim3A_114 = vector.broadcast %squeeze3A_113 : f32 to vector<16xf32>
      %get3A_115 = arith.index_cast %scan3A_76 : i32 to index
      %get3A_116 = arith.constant 64 : index
      %get3A_117 = tpu.vector_load %arg6[%get3A_115, %get3A_116] {strides = array<i32>} : memref<16x1024xf32, #tpu.memory_space<vmem>>, vector<16xf32>,
      %mul3A_118 = arith.mulf %get3A_117, %broadcast_in_dim3A_114 : vector<16xf32>
      %swap3A_119 = arith.index_cast %scan3A_76 : i32 to index
      %swap3A_120 = arith.constant 64 : index
      %swap3A_121 = tpu.vector_load %arg7[%swap3A_119, %swap3A_120] {strides = array<i32>} : memref<16x1024xf32, #tpu.memory_space<vmem>>, vector<16xf32>,
      tpu.vector_store %arg7[%swap3A_119, %swap3A_120], %mul3A_118 {strides = array<i32>} : memref<16x1024xf32, #tpu.memory_space<vmem>>, vector<16xf32>,
      %get3A_122 = arith.index_cast %scan3A_76 : i32 to index
      %get3A_123 = arith.constant 80 : index
      %get3A_124 = tpu.vector_load %arg6[%get3A_122, %get3A_123] {strides = array<i32>} : memref<16x1024xf32, #tpu.memory_space<vmem>>, vector<16xf32>,
      %mul3A_125 = arith.mulf %get3A_124, %broadcast_in_dim3A_114 : vector<16xf32>
      %swap3A_126 = arith.index_cast %scan3A_76 : i32 to index
      %swap3A_127 = arith.constant 80 : index
      %swap3A_128 = tpu.vector_load %arg7[%swap3A_126, %swap3A_127] {strides = array<i32>} : memref<16x1024xf32, #tpu.memory_space<vmem>>, vector<16xf32>,
      tpu.vector_store %arg7[%swap3A_126, %swap3A_127], %mul3A_125 {strides = array<i32>} : memref<16x1024xf32, #tpu.memory_space<vmem>>, vector<16xf32>,
      %slice3A_129 = vector.extract_strided_slice %get3A_78 {offsets = [3], sizes = [1], strides = [1]} : vector<16xf32> to vector<1xf32>
      %squeeze3A_130 = vector.extract %slice3A_129[0] : f32 from vector<1xf32>
      %broadcast_in_dim3A_131 = vector.broadcast %squeeze3A_130 : f32 to vector<16xf32>
      %get3A_132 = arith.index_cast %scan3A_76 : i32 to index
      %get3A_133 = arith.constant 96 : index
      %get3A_134 = tpu.vector_load %arg6[%get3A_132, %get3A_133] {strides = array<i32>} : memref<16x1024xf32, #tpu.memory_space<vmem>>, vector<16xf32>,
      %mul3A_135 = arith.mulf %get3A_134, %broadcast_in_dim3A_131 : vector<16xf32>
      %swap3A_136 = arith.index_cast %scan3A_76 : i32 to index
      %swap3A_137 = arith.constant 96 : index
      %swap3A_138 = tpu.vector_load %arg7[%swap3A_136, %swap3A_137] {strides = array<i32>} : memref<16x1024xf32, #tpu.memory_space<vmem>>, vector<16xf32>,
      tpu.vector_store %arg7[%swap3A_136, %swap3A_137], %mul3A_135 {strides = array<i32>} : memref<16x1024xf32, #tpu.memory_space<vmem>>, vector<16xf32>,
      %get3A_139 = arith.index_cast %scan3A_76 : i32 to index
      %get3A_140 = arith.constant 112 : index
      %get3A_141 = tpu.vector_load %arg6[%get3A_139, %get3A_140] {strides = array<i32>} : memref<16x1024xf32, #tpu.memory_space<vmem>>, vector<16xf32>,
      %mul3A_142 = arith.mulf %get3A_141, %broadcast_in_dim3A_131 : vector<16xf32>
      %swap3A_143 = arith.index_cast %scan3A_76 : i32 to index
      %swap3A_144 = arith.constant 112 : index
      %swap3A_145 = tpu.vector_load %arg7[%swap3A_143, %swap3A_144] {strides = array<i32>} : memref<16x1024xf32, #tpu.memory_space<vmem>>, vector<16xf32>,
      tpu.vector_store %arg7[%swap3A_143, %swap3A_144], %mul3A_142 {strides = array<i32>} : memref<16x1024xf32, #tpu.memory_space<vmem>>, vector<16xf32>,
      %slice3A_146 = vector.extract_strided_slice %get3A_78 {offsets = [4], sizes = [1], strides = [1]} : vector<16xf32> to vector<1xf32>
      %squeeze3A_147 = vector.extract %slice3A_146[0] : f32 from vector<1xf32>
      %broadcast_in_dim3A_148 = vector.broadcast %squeeze3A_147 : f32 to vector<16xf32>
      %get3A_149 = arith.index_cast %scan3A_76 : i32 to index
      %get3A_150 = arith.constant 128 : index
      %get3A_151 = tpu.vector_load %arg6[%get3A_149, %get3A_150] {strides = array<i32>} : memref<16x1024xf32, #tpu.memory_space<vmem>>, vector<16xf32>,
      %mul3A_152 = arith.mulf %get3A_151, %broadcast_in_dim3A_148 : vector<16xf32>
      %swap3A_153 = arith.index_cast %scan3A_76 : i32 to index
      %swap3A_154 = arith.constant 128 : index
      %swap3A_155 = tpu.vector_load %arg7[%swap3A_153, %swap3A_154] {strides = array<i32>} : memref<16x1024xf32, #tpu.memory_space<vmem>>, vector<16xf32>,
      tpu.vector_store %arg7[%swap3A_153, %swap3A_154], %mul3A_152 {strides = array<i32>} : memref<16x1024xf32, #tpu.memory_space<vmem>>, vector<16xf32>,
      %get3A_156 = arith.index_cast %scan3A_76 : i32 to index
      %get3A_157 = arith.constant 144 : index
      %get3A_158 = tpu.vector_load %arg6[%get3A_156, %get3A_157] {strides = array<i32>} : memref<16x1024xf32, #tpu.memory_space<vmem>>, vector<16xf32>,
      %mul3A_159 = arith.mulf %get3A_158, %broadcast_in_dim3A_148 : vector<16xf32>
      %swap3A_160 = arith.index_cast %scan3A_76 : i32 to index
      %swap3A_161 = arith.constant 144 : index
      %swap3A_162 = tpu.vector_load %arg7[%swap3A_160, %swap3A_161] {strides = array<i32>} : memref<16x1024xf32, #tpu.memory_space<vmem>>, vector<16xf32>,
      tpu.vector_store %arg7[%swap3A_160, %swap3A_161], %mul3A_159 {strides = array<i32>} : memref<16x1024xf32, #tpu.memory_space<vmem>>, vector<16xf32>,
      %slice3A_163 = vector.extract_strided_slice %get3A_78 {offsets = [5], sizes = [1], strides = [1]} : vector<16xf32> to vector<1xf32>
      %squeeze3A_164 = vector.extract %slice3A_163[0] : f32 from vector<1xf32>
      %broadcast_in_dim3A_165 = vector.broadcast %squeeze3A_164 : f32 to vector<16xf32>
      %get3A_166 = arith.index_cast %scan3A_76 : i32 to index
      %get3A_167 = arith.constant 160 : index
      %get3A_168 = tpu.vector_load %arg6[%get3A_166, %get3A_167] {strides = array<i32>} : memref<16x1024xf32, #tpu.memory_space<vmem>>, vector<16xf32>,
      %mul3A_169 = arith.mulf %get3A_168, %broadcast_in_dim3A_165 : vector<16xf32>
      %swap3A_170 = arith.index_cast %scan3A_76 : i32 to index
      %swap3A_171 = arith.constant 160 : index
      %swap3A_172 = tpu.vector_load %arg7[%swap3A_170, %swap3A_171] {strides = array<i32>} : memref<16x1024xf32, #tpu.memory_space<vmem>>, vector<16xf32>,
      tpu.vector_store %arg7[%swap3A_170, %swap3A_171], %mul3A_169 {strides = array<i32>} : memref<16x1024xf32, #tpu.memory_space<vmem>>, vector<16xf32>,
      %get3A_173 = arith.index_cast %scan3A_76 : i32 to index
      %get3A_174 = arith.constant 176 : index
      %get3A_175 = tpu.vector_load %arg6[%get3A_173, %get3A_174] {strides = array<i32>} : memref<16x1024xf32, #tpu.memory_space<vmem>>, vector<16xf32>,
      %mul3A_176 = arith.mulf %get3A_175, %broadcast_in_dim3A_165 : vector<16xf32>
      %swap3A_177 = arith.index_cast %scan3A_76 : i32 to index
      %swap3A_178 = arith.constant 176 : index
      %swap3A_179 = tpu.vector_load %arg7[%swap3A_177, %swap3A_178] {strides = array<i32>} : memref<16x1024xf32, #tpu.memory_space<vmem>>, vector<16xf32>,
      tpu.vector_store %arg7[%swap3A_177, %swap3A_178], %mul3A_176 {strides = array<i32>} : memref<16x1024xf32, #tpu.memory_space<vmem>>, vector<16xf32>,
      %slice3A_180 = vector.extract_strided_slice %get3A_78 {offsets = [6], sizes = [1], strides = [1]} : vector<16xf32> to vector<1xf32>
      %squeeze3A_181 = vector.extract %slice3A_180[0] : f32 from vector<1xf32>
      %broadcast_in_dim3A_182 = vector.broadcast %squeeze3A_181 : f32 to vector<16xf32>
      %get3A_183 = arith.index_cast %scan3A_76 : i32 to index
      %get3A_184 = arith.constant 192 : index
      %get3A_185 = tpu.vector_load %arg6[%get3A_183, %get3A_184] {strides = array<i32>} : memref<16x1024xf32, #tpu.memory_space<vmem>>, vector<16xf32>,
      %mul3A_186 = arith.mulf %get3A_185, %broadcast_in_dim3A_182 : vector<16xf32>
      %swap3A_187 = arith.index_cast %scan3A_76 : i32 to index
      %swap3A_188 = arith.constant 192 : index
      %swap3A_189 = tpu.vector_load %arg7[%swap3A_187, %swap3A_188] {strides = array<i32>} : memref<16x1024xf32, #tpu.memory_space<vmem>>, vector<16xf32>,
      tpu.vector_store %arg7[%swap3A_187, %swap3A_188], %mul3A_186 {strides = array<i32>} : memref<16x1024xf32, #tpu.memory_space<vmem>>, vector<16xf32>,
      %get3A_190 = arith.index_cast %scan3A_76 : i32 to index
      %get3A_191 = arith.constant 208 : index
      %get3A_192 = tpu.vector_load %arg6[%get3A_190, %get3A_191] {strides = array<i32>} : memref<16x1024xf32, #tpu.memory_space<vmem>>, vector<16xf32>,
      %mul3A_193 = arith.mulf %get3A_192, %broadcast_in_dim3A_182 : vector<16xf32>
      %swap3A_194 = arith.index_cast %scan3A_76 : i32 to index
      %swap3A_195 = arith.constant 208 : index
      %swap3A_196 = tpu.vector_load %arg7[%swap3A_194, %swap3A_195] {strides = array<i32>} : memref<16x1024xf32, #tpu.memory_space<vmem>>, vector<16xf32>,
      tpu.vector_store %arg7[%swap3A_194, %swap3A_195], %mul3A_193 {strides = array<i32>} : memref<16x1024xf32, #tpu.memory_space<vmem>>, vector<16xf32>,
      %slice3A_197 = vector.extract_strided_slice %get3A_78 {offsets = [7], sizes = [1], strides = [1]} : vector<16xf32> to vector<1xf32>
      %squeeze3A_198 = vector.extract %slice3A_197[0] : f32 from vector<1xf32>
      %broadcast_in_dim3A_199 = vector.broadcast %squeeze3A_198 : f32 to vector<16xf32>
      %get3A_200 = arith.index_cast %scan3A_76 : i32 to index
      %get3A_201 = arith.constant 224 : index
      %get3A_202 = tpu.vector_load %arg6[%get3A_200, %get3A_201] {strides = array<i32>} : memref<16x1024xf32, #tpu.memory_space<vmem>>, vector<16xf32>,
      %mul3A_203 = arith.mulf %get3A_202, %broadcast_in_dim3A_199 : vector<16xf32>
      %swap3A_204 = arith.index_cast %scan3A_76 : i32 to index
      %swap3A_205 = arith.constant 224 : index
      %swap3A_206 = tpu.vector_load %arg7[%swap3A_204, %swap3A_205] {strides = array<i32>} : memref<16x1024xf32, #tpu.memory_space<vmem>>, vector<16xf32>,
      tpu.vector_store %arg7[%swap3A_204, %swap3A_205], %mul3A_203 {strides = array<i32>} : memref<16x1024xf32, #tpu.memory_space<vmem>>, vector<16xf32>,
      %get3A_207 = arith.index_cast %scan3A_76 : i32 to index
      %get3A_208 = arith.constant 240 : index
      %get3A_209 = tpu.vector_load %arg6[%get3A_207, %get3A_208] {strides = array<i32>} : memref<16x1024xf32, #tpu.memory_space<vmem>>, vector<16xf32>,
      %mul3A_210 = arith.mulf %get3A_209, %broadcast_in_dim3A_199 : vector<16xf32>
      %swap3A_211 = arith.index_cast %scan3A_76 : i32 to index
      %swap3A_212 = arith.constant 240 : index
      %swap3A_213 = tpu.vector_load %arg7[%swap3A_211, %swap3A_212] {strides = array<i32>} : memref<16x1024xf32, #tpu.memory_space<vmem>>, vector<16xf32>,
      tpu.vector_store %arg7[%swap3A_211, %swap3A_212], %mul3A_210 {strides = array<i32>} : memref<16x1024xf32, #tpu.memory_space<vmem>>, vector<16xf32>,
      %slice3A_214 = vector.extract_strided_slice %get3A_78 {offsets = [8], sizes = [1], strides = [1]} : vector<16xf32> to vector<1xf32>
      %squeeze3A_215 = vector.extract %slice3A_214[0] : f32 from vector<1xf32>
      %broadcast_in_dim3A_216 = vector.broadcast %squeeze3A_215 : f32 to vector<16xf32>
      %get3A_217 = arith.index_cast %scan3A_76 : i32 to index
      %get3A_218 = arith.constant 256 : index
      %get3A_219 = tpu.vector_load %arg6[%get3A_217, %get3A_218] {strides = array<i32>} : memref<16x1024xf32, #tpu.memory_space<vmem>>, vector<16xf32>,
      %mul3A_220 = arith.mulf %get3A_219, %broadcast_in_dim3A_216 : vector<16xf32>
      %swap3A_221 = arith.index_cast %scan3A_76 : i32 to index
      %swap3A_222 = arith.constant 256 : index
      %swap3A_223 = tpu.vector_load %arg7[%swap3A_221, %swap3A_222] {strides = array<i32>} : memref<16x1024xf32, #tpu.memory_space<vmem>>, vector<16xf32>,
      tpu.vector_store %arg7[%swap3A_221, %swap3A_222], %mul3A_220 {strides = array<i32>} : memref<16x1024xf32, #tpu.memory_space<vmem>>, vector<16xf32>,
      %get3A_224 = arith.index_cast %scan3A_76 : i32 to index
      %get3A_225 = arith.constant 272 : index
      %get3A_226 = tpu.vector_load %arg6[%get3A_224, %get3A_225] {strides = array<i32>} : memref<16x1024xf32, #tpu.memory_space<vmem>>, vector<16xf32>,
      %mul3A_227 = arith.mulf %get3A_226, %broadcast_in_dim3A_216 : vector<16xf32>
      %swap3A_228 = arith.index_cast %scan3A_76 : i32 to index
      %swap3A_229 = arith.constant 272 : index
      %swap3A_230 = tpu.vector_load %arg7[%swap3A_228, %swap3A_229] {strides = array<i32>} : memref<16x1024xf32, #tpu.memory_space<vmem>>, vector<16xf32>,
      tpu.vector_store %arg7[%swap3A_228, %swap3A_229], %mul3A_227 {strides = array<i32>} : memref<16x1024xf32, #tpu.memory_space<vmem>>, vector<16xf32>,
      %slice3A_231 = vector.extract_strided_slice %get3A_78 {offsets = [9], sizes = [1], strides = [1]} : vector<16xf32> to vector<1xf32>
      %squeeze3A_232 = vector.extract %slice3A_231[0] : f32 from vector<1xf32>
      %broadcast_in_dim3A_233 = vector.broadcast %squeeze3A_232 : f32 to vector<16xf32>
      %get3A_234 = arith.index_cast %scan3A_76 : i32 to index
      %get3A_235 = arith.constant 288 : index
      %get3A_236 = tpu.vector_load %arg6[%get3A_234, %get3A_235] {strides = array<i32>} : memref<16x1024xf32, #tpu.memory_space<vmem>>, vector<16xf32>,
      %mul3A_237 = arith.mulf %get3A_236, %broadcast_in_dim3A_233 : vector<16xf32>
      %swap3A_238 = arith.index_cast %scan3A_76 : i32 to index
      %swap3A_239 = arith.constant 288 : index
      %swap3A_240 = tpu.vector_load %arg7[%swap3A_238, %swap3A_239] {strides = array<i32>} : memref<16x1024xf32, #tpu.memory_space<vmem>>, vector<16xf32>,
      tpu.vector_store %arg7[%swap3A_238, %swap3A_239], %mul3A_237 {strides = array<i32>} : memref<16x1024xf32, #tpu.memory_space<vmem>>, vector<16xf32>,
      %get3A_241 = arith.index_cast %scan3A_76 : i32 to index
      %get3A_242 = arith.constant 304 : index
      %get3A_243 = tpu.vector_load %arg6[%get3A_241, %get3A_242] {strides = array<i32>} : memref<16x1024xf32, #tpu.memory_space<vmem>>, vector<16xf32>,
      %mul3A_244 = arith.mulf %get3A_243, %broadcast_in_dim3A_233 : vector<16xf32>
      %swap3A_245 = arith.index_cast %scan3A_76 : i32 to index
      %swap3A_246 = arith.constant 304 : index
      %swap3A_247 = tpu.vector_load %arg7[%swap3A_245, %swap3A_246] {strides = array<i32>} : memref<16x1024xf32, #tpu.memory_space<vmem>>, vector<16xf32>,
      tpu.vector_store %arg7[%swap3A_245, %swap3A_246], %mul3A_244 {strides = array<i32>} : memref<16x1024xf32, #tpu.memory_space<vmem>>, vector<16xf32>,
      %slice3A_248 = vector.extract_strided_slice %get3A_78 {offsets = [10], sizes = [1], strides = [1]} : vector<16xf32> to vector<1xf32>
      %squeeze3A_249 = vector.extract %slice3A_248[0] : f32 from vector<1xf32>
      %broadcast_in_dim3A_250 = vector.broadcast %squeeze3A_249 : f32 to vector<16xf32>
      %get3A_251 = arith.index_cast %scan3A_76 : i32 to index
      %get3A_252 = arith.constant 320 : index
      %get3A_253 = tpu.vector_load %arg6[%get3A_251, %get3A_252] {strides = array<i32>} : memref<16x1024xf32, #tpu.memory_space<vmem>>, vector<16xf32>,
      %mul3A_254 = arith.mulf %get3A_253, %broadcast_in_dim3A_250 : vector<16xf32>
      %swap3A_255 = arith.index_cast %scan3A_76 : i32 to index
      %swap3A_256 = arith.constant 320 : index
      %swap3A_257 = tpu.vector_load %arg7[%swap3A_255, %swap3A_256] {strides = array<i32>} : memref<16x1024xf32, #tpu.memory_space<vmem>>, vector<16xf32>,
      tpu.vector_store %arg7[%swap3A_255, %swap3A_256], %mul3A_254 {strides = array<i32>} : memref<16x1024xf32, #tpu.memory_space<vmem>>, vector<16xf32>,
      %get3A_258 = arith.index_cast %scan3A_76 : i32 to index
      %get3A_259 = arith.constant 336 : index
      %get3A_260 = tpu.vector_load %arg6[%get3A_258, %get3A_259] {strides = array<i32>} : memref<16x1024xf32, #tpu.memory_space<vmem>>, vector<16xf32>,
      %mul3A_261 = arith.mulf %get3A_260, %broadcast_in_dim3A_250 : vector<16xf32>
      %swap3A_262 = arith.index_cast %scan3A_76 : i32 to index
      %swap3A_263 = arith.constant 336 : index
      %swap3A_264 = tpu.vector_load %arg7[%swap3A_262, %swap3A_263] {strides = array<i32>} : memref<16x1024xf32, #tpu.memory_space<vmem>>, vector<16xf32>,
      tpu.vector_store %arg7[%swap3A_262, %swap3A_263], %mul3A_261 {strides = array<i32>} : memref<16x1024xf32, #tpu.memory_space<vmem>>, vector<16xf32>,
      %slice3A_265 = vector.extract_strided_slice %get3A_78 {offsets = [11], sizes = [1], strides = [1]} : vector<16xf32> to vector<1xf32>
      %squeeze3A_266 = vector.extract %slice3A_265[0] : f32 from vector<1xf32>
      %broadcast_in_dim3A_267 = vector.broadcast %squeeze3A_266 : f32 to vector<16xf32>
      %get3A_268 = arith.index_cast %scan3A_76 : i32 to index
      %get3A_269 = arith.constant 352 : index
      %get3A_270 = tpu.vector_load %arg6[%get3A_268, %get3A_269] {strides = array<i32>} : memref<16x1024xf32, #tpu.memory_space<vmem>>, vector<16xf32>,
      %mul3A_271 = arith.mulf %get3A_270, %broadcast_in_dim3A_267 : vector<16xf32>
      %swap3A_272 = arith.index_cast %scan3A_76 : i32 to index
      %swap3A_273 = arith.constant 352 : index
      %swap3A_274 = tpu.vector_load %arg7[%swap3A_272, %swap3A_273] {strides = array<i32>} : memref<16x1024xf32, #tpu.memory_space<vmem>>, vector<16xf32>,
      tpu.vector_store %arg7[%swap3A_272, %swap3A_273], %mul3A_271 {strides = array<i32>} : memref<16x1024xf32, #tpu.memory_space<vmem>>, vector<16xf32>,
      %get3A_275 = arith.index_cast %scan3A_76 : i32 to index
      %get3A_276 = arith.constant 368 : index
      %get3A_277 = tpu.vector_load %arg6[%get3A_275, %get3A_276] {strides = array<i32>} : memref<16x1024xf32, #tpu.memory_space<vmem>>, vector<16xf32>,
      %mul3A_278 = arith.mulf %get3A_277, %broadcast_in_dim3A_267 : vector<16xf32>
      %swap3A_279 = arith.index_cast %scan3A_76 : i32 to index
      %swap3A_280 = arith.constant 368 : index
      %swap3A_281 = tpu.vector_load %arg7[%swap3A_279, %swap3A_280] {strides = array<i32>} : memref<16x1024xf32, #tpu.memory_space<vmem>>, vector<16xf32>,
      tpu.vector_store %arg7[%swap3A_279, %swap3A_280], %mul3A_278 {strides = array<i32>} : memref<16x1024xf32, #tpu.memory_space<vmem>>, vector<16xf32>,
      %slice3A_282 = vector.extract_strided_slice %get3A_78 {offsets = [12], sizes = [1], strides = [1]} : vector<16xf32> to vector<1xf32>
      %squeeze3A_283 = vector.extract %slice3A_282[0] : f32 from vector<1xf32>
      %broadcast_in_dim3A_284 = vector.broadcast %squeeze3A_283 : f32 to vector<16xf32>
      %get3A_285 = arith.index_cast %scan3A_76 : i32 to index
      %get3A_286 = arith.constant 384 : index
      %get3A_287 = tpu.vector_load %arg6[%get3A_285, %get3A_286] {strides = array<i32>} : memref<16x1024xf32, #tpu.memory_space<vmem>>, vector<16xf32>,
      %mul3A_288 = arith.mulf %get3A_287, %broadcast_in_dim3A_284 : vector<16xf32>
      %swap3A_289 = arith.index_cast %scan3A_76 : i32 to index
      %swap3A_290 = arith.constant 384 : index
      %swap3A_291 = tpu.vector_load %arg7[%swap3A_289, %swap3A_290] {strides = array<i32>} : memref<16x1024xf32, #tpu.memory_space<vmem>>, vector<16xf32>,
      tpu.vector_store %arg7[%swap3A_289, %swap3A_290], %mul3A_288 {strides = array<i32>} : memref<16x1024xf32, #tpu.memory_space<vmem>>, vector<16xf32>,
      %get3A_292 = arith.index_cast %scan3A_76 : i32 to index
      %get3A_293 = arith.constant 400 : index
      %get3A_294 = tpu.vector_load %arg6[%get3A_292, %get3A_293] {strides = array<i32>} : memref<16x1024xf32, #tpu.memory_space<vmem>>, vector<16xf32>,
      %mul3A_295 = arith.mulf %get3A_294, %broadcast_in_dim3A_284 : vector<16xf32>
      %swap3A_296 = arith.index_cast %scan3A_76 : i32 to index
      %swap3A_297 = arith.constant 400 : index
      %swap3A_298 = tpu.vector_load %arg7[%swap3A_296, %swap3A_297] {strides = array<i32>} : memref<16x1024xf32, #tpu.memory_space<vmem>>, vector<16xf32>,
      tpu.vector_store %arg7[%swap3A_296, %swap3A_297], %mul3A_295 {strides = array<i32>} : memref<16x1024xf32, #tpu.memory_space<vmem>>, vector<16xf32>,
      %slice3A_299 = vector.extract_strided_slice %get3A_78 {offsets = [13], sizes = [1], strides = [1]} : vector<16xf32> to vector<1xf32>
      %squeeze3A_300 = vector.extract %slice3A_299[0] : f32 from vector<1xf32>
      %broadcast_in_dim3A_301 = vector.broadcast %squeeze3A_300 : f32 to vector<16xf32>
      %get3A_302 = arith.index_cast %scan3A_76 : i32 to index
      %get3A_303 = arith.constant 416 : index
      %get3A_304 = tpu.vector_load %arg6[%get3A_302, %get3A_303] {strides = array<i32>} : memref<16x1024xf32, #tpu.memory_space<vmem>>, vector<16xf32>,
      %mul3A_305 = arith.mulf %get3A_304, %broadcast_in_dim3A_301 : vector<16xf32>
      %swap3A_306 = arith.index_cast %scan3A_76 : i32 to index
      %swap3A_307 = arith.constant 416 : index
      %swap3A_308 = tpu.vector_load %arg7[%swap3A_306, %swap3A_307] {strides = array<i32>} : memref<16x1024xf32, #tpu.memory_space<vmem>>, vector<16xf32>,
      tpu.vector_store %arg7[%swap3A_306, %swap3A_307], %mul3A_305 {strides = array<i32>} : memref<16x1024xf32, #tpu.memory_space<vmem>>, vector<16xf32>,
      %get3A_309 = arith.index_cast %scan3A_76 : i32 to index
      %get3A_310 = arith.constant 432 : index
      %get3A_311 = tpu.vector_load %arg6[%get3A_309, %get3A_310] {strides = array<i32>} : memref<16x1024xf32, #tpu.memory_space<vmem>>, vector<16xf32>,
      %mul3A_312 = arith.mulf %get3A_311, %broadcast_in_dim3A_301 : vector<16xf32>
      %swap3A_313 = arith.index_cast %scan3A_76 : i32 to index
      %swap3A_314 = arith.constant 432 : index
      %swap3A_315 = tpu.vector_load %arg7[%swap3A_313, %swap3A_314] {strides = array<i32>} : memref<16x1024xf32, #tpu.memory_space<vmem>>, vector<16xf32>,
      tpu.vector_store %arg7[%swap3A_313, %swap3A_314], %mul3A_312 {strides = array<i32>} : memref<16x1024xf32, #tpu.memory_space<vmem>>, vector<16xf32>,
      %slice3A_316 = vector.extract_strided_slice %get3A_78 {offsets = [14], sizes = [1], strides = [1]} : vector<16xf32> to vector<1xf32>
      %squeeze3A_317 = vector.extract %slice3A_316[0] : f32 from vector<1xf32>
      %broadcast_in_dim3A_318 = vector.broadcast %squeeze3A_317 : f32 to vector<16xf32>
      %get3A_319 = arith.index_cast %scan3A_76 : i32 to index
      %get3A_320 = arith.constant 448 : index
      %get3A_321 = tpu.vector_load %arg6[%get3A_319, %get3A_320] {strides = array<i32>} : memref<16x1024xf32, #tpu.memory_space<vmem>>, vector<16xf32>,
      %mul3A_322 = arith.mulf %get3A_321, %broadcast_in_dim3A_318 : vector<16xf32>
      %swap3A_323 = arith.index_cast %scan3A_76 : i32 to index
      %swap3A_324 = arith.constant 448 : index
      %swap3A_325 = tpu.vector_load %arg7[%swap3A_323, %swap3A_324] {strides = array<i32>} : memref<16x1024xf32, #tpu.memory_space<vmem>>, vector<16xf32>,
      tpu.vector_store %arg7[%swap3A_323, %swap3A_324], %mul3A_322 {strides = array<i32>} : memref<16x1024xf32, #tpu.memory_space<vmem>>, vector<16xf32>,
      %get3A_326 = arith.index_cast %scan3A_76 : i32 to index
      %get3A_327 = arith.constant 464 : index
      %get3A_328 = tpu.vector_load %arg6[%get3A_326, %get3A_327] {strides = array<i32>} : memref<16x1024xf32, #tpu.memory_space<vmem>>, vector<16xf32>,
      %mul3A_329 = arith.mulf %get3A_328, %broadcast_in_dim3A_318 : vector<16xf32>
      %swap3A_330 = arith.index_cast %scan3A_76 : i32 to index
      %swap3A_331 = arith.constant 464 : index
      %swap3A_332 = tpu.vector_load %arg7[%swap3A_330, %swap3A_331] {strides = array<i32>} : memref<16x1024xf32, #tpu.memory_space<vmem>>, vector<16xf32>,
      tpu.vector_store %arg7[%swap3A_330, %swap3A_331], %mul3A_329 {strides = array<i32>} : memref<16x1024xf32, #tpu.memory_space<vmem>>, vector<16xf32>,
      %slice3A_333 = vector.extract_strided_slice %get3A_78 {offsets = [15], sizes = [1], strides = [1]} : vector<16xf32> to vector<1xf32>
      %squeeze3A_334 = vector.extract %slice3A_333[0] : f32 from vector<1xf32>
      %broadcast_in_dim3A_335 = vector.broadcast %squeeze3A_334 : f32 to vector<16xf32>
      %get3A_336 = arith.index_cast %scan3A_76 : i32 to index
      %get3A_337 = arith.constant 480 : index
      %get3A_338 = tpu.vector_load %arg6[%get3A_336, %get3A_337] {strides = array<i32>} : memref<16x1024xf32, #tpu.memory_space<vmem>>, vector<16xf32>,
      %mul3A_339 = arith.mulf %get3A_338, %broadcast_in_dim3A_335 : vector<16xf32>
      %swap3A_340 = arith.index_cast %scan3A_76 : i32 to index
      %swap3A_341 = arith.constant 480 : index
      %swap3A_342 = tpu.vector_load %arg7[%swap3A_340, %swap3A_341] {strides = array<i32>} : memref<16x1024xf32, #tpu.memory_space<vmem>>, vector<16xf32>,
      tpu.vector_store %arg7[%swap3A_340, %swap3A_341], %mul3A_339 {strides = array<i32>} : memref<16x1024xf32, #tpu.memory_space<vmem>>, vector<16xf32>,
      %get3A_343 = arith.index_cast %scan3A_76 : i32 to index
      %get3A_344 = arith.constant 496 : index
      %get3A_345 = tpu.vector_load %arg6[%get3A_343, %get3A_344] {strides = array<i32>} : memref<16x1024xf32, #tpu.memory_space<vmem>>, vector<16xf32>,
      %mul3A_346 = arith.mulf %get3A_345, %broadcast_in_dim3A_335 : vector<16xf32>
      %swap3A_347 = arith.index_cast %scan3A_76 : i32 to index
      %swap3A_348 = arith.constant 496 : index
      %swap3A_349 = tpu.vector_load %arg7[%swap3A_347, %swap3A_348] {strides = array<i32>} : memref<16x1024xf32, #tpu.memory_space<vmem>>, vector<16xf32>,
      tpu.vector_store %arg7[%swap3A_347, %swap3A_348], %mul3A_346 {strides = array<i32>} : memref<16x1024xf32, #tpu.memory_space<vmem>>, vector<16xf32>,
      %slice3A_350 = vector.extract_strided_slice %get3A_81 {offsets = [0], sizes = [1], strides = [1]} : vector<16xf32> to vector<1xf32>
      %squeeze3A_351 = vector.extract %slice3A_350[0] : f32 from vector<1xf32>
      %broadcast_in_dim3A_352 = vector.broadcast %squeeze3A_351 : f32 to vector<16xf32>
      %get3A_353 = arith.index_cast %scan3A_76 : i32 to index
      %get3A_354 = arith.constant 512 : index
      %get3A_355 = tpu.vector_load %arg6[%get3A_353, %get3A_354] {strides = array<i32>} : memref<16x1024xf32, #tpu.memory_space<vmem>>, vector<16xf32>,
      %mul3A_356 = arith.mulf %get3A_355, %broadcast_in_dim3A_352 : vector<16xf32>
      %swap3A_357 = arith.index_cast %scan3A_76 : i32 to index
      %swap3A_358 = arith.constant 512 : index
      %swap3A_359 = tpu.vector_load %arg7[%swap3A_357, %swap3A_358] {strides = array<i32>} : memref<16x1024xf32, #tpu.memory_space<vmem>>, vector<16xf32>,
      tpu.vector_store %arg7[%swap3A_357, %swap3A_358], %mul3A_356 {strides = array<i32>} : memref<16x1024xf32, #tpu.memory_space<vmem>>, vector<16xf32>,
      %get3A_360 = arith.index_cast %scan3A_76 : i32 to index
      %get3A_361 = arith.constant 528 : index
      %get3A_362 = tpu.vector_load %arg6[%get3A_360, %get3A_361] {strides = array<i32>} : memref<16x1024xf32, #tpu.memory_space<vmem>>, vector<16xf32>,
      %mul3A_363 = arith.mulf %get3A_362, %broadcast_in_dim3A_352 : vector<16xf32>
      %swap3A_364 = arith.index_cast %scan3A_76 : i32 to index
      %swap3A_365 = arith.constant 528 : index
      %swap3A_366 = tpu.vector_load %arg7[%swap3A_364, %swap3A_365] {strides = array<i32>} : memref<16x1024xf32, #tpu.memory_space<vmem>>, vector<16xf32>,
      tpu.vector_store %arg7[%swap3A_364, %swap3A_365], %mul3A_363 {strides = array<i32>} : memref<16x1024xf32, #tpu.memory_space<vmem>>, vector<16xf32>,
      %slice3A_367 = vector.extract_strided_slice %get3A_81 {offsets = [1], sizes = [1], strides = [1]} : vector<16xf32> to vector<1xf32>
      %squeeze3A_368 = vector.extract %slice3A_367[0] : f32 from vector<1xf32>
      %broadcast_in_dim3A_369 = vector.broadcast %squeeze3A_368 : f32 to vector<16xf32>
      %get3A_370 = arith.index_cast %scan3A_76 : i32 to index
      %get3A_371 = arith.constant 544 : index
      %get3A_372 = tpu.vector_load %arg6[%get3A_370, %get3A_371] {strides = array<i32>} : memref<16x1024xf32, #tpu.memory_space<vmem>>, vector<16xf32>,
      %mul3A_373 = arith.mulf %get3A_372, %broadcast_in_dim3A_369 : vector<16xf32>
      %swap3A_374 = arith.index_cast %scan3A_76 : i32 to index
      %swap3A_375 = arith.constant 544 : index
      %swap3A_376 = tpu.vector_load %arg7[%swap3A_374, %swap3A_375] {strides = array<i32>} : memref<16x1024xf32, #tpu.memory_space<vmem>>, vector<16xf32>,
      tpu.vector_store %arg7[%swap3A_374, %swap3A_375], %mul3A_373 {strides = array<i32>} : memref<16x1024xf32, #tpu.memory_space<vmem>>, vector<16xf32>,
      %get3A_377 = arith.index_cast %scan3A_76 : i32 to index
      %get3A_378 = arith.constant 560 : index
      %get3A_379 = tpu.vector_load %arg6[%get3A_377, %get3A_378] {strides = array<i32>} : memref<16x1024xf32, #tpu.memory_space<vmem>>, vector<16xf32>,
      %mul3A_380 = arith.mulf %get3A_379, %broadcast_in_dim3A_369 : vector<16xf32>
      %swap3A_381 = arith.index_cast %scan3A_76 : i32 to index
      %swap3A_382 = arith.constant 560 : index
      %swap3A_383 = tpu.vector_load %arg7[%swap3A_381, %swap3A_382] {strides = array<i32>} : memref<16x1024xf32, #tpu.memory_space<vmem>>, vector<16xf32>,
      tpu.vector_store %arg7[%swap3A_381, %swap3A_382], %mul3A_380 {strides = array<i32>} : memref<16x1024xf32, #tpu.memory_space<vmem>>, vector<16xf32>,
      %slice3A_384 = vector.extract_strided_slice %get3A_81 {offsets = [2], sizes = [1], strides = [1]} : vector<16xf32> to vector<1xf32>
      %squeeze3A_385 = vector.extract %slice3A_384[0] : f32 from vector<1xf32>
      %broadcast_in_dim3A_386 = vector.broadcast %squeeze3A_385 : f32 to vector<16xf32>
      %get3A_387 = arith.index_cast %scan3A_76 : i32 to index
      %get3A_388 = arith.constant 576 : index
      %get3A_389 = tpu.vector_load %arg6[%get3A_387, %get3A_388] {strides = array<i32>} : memref<16x1024xf32, #tpu.memory_space<vmem>>, vector<16xf32>,
      %mul3A_390 = arith.mulf %get3A_389, %broadcast_in_dim3A_386 : vector<16xf32>
      %swap3A_391 = arith.index_cast %scan3A_76 : i32 to index
      %swap3A_392 = arith.constant 576 : index
      %swap3A_393 = tpu.vector_load %arg7[%swap3A_391, %swap3A_392] {strides = array<i32>} : memref<16x1024xf32, #tpu.memory_space<vmem>>, vector<16xf32>,
      tpu.vector_store %arg7[%swap3A_391, %swap3A_392], %mul3A_390 {strides = array<i32>} : memref<16x1024xf32, #tpu.memory_space<vmem>>, vector<16xf32>,
      %get3A_394 = arith.index_cast %scan3A_76 : i32 to index
      %get3A_395 = arith.constant 592 : index
      %get3A_396 = tpu.vector_load %arg6[%get3A_394, %get3A_395] {strides = array<i32>} : memref<16x1024xf32, #tpu.memory_space<vmem>>, vector<16xf32>,
      %mul3A_397 = arith.mulf %get3A_396, %broadcast_in_dim3A_386 : vector<16xf32>
      %swap3A_398 = arith.index_cast %scan3A_76 : i32 to index
      %swap3A_399 = arith.constant 592 : index
      %swap3A_400 = tpu.vector_load %arg7[%swap3A_398, %swap3A_399] {strides = array<i32>} : memref<16x1024xf32, #tpu.memory_space<vmem>>, vector<16xf32>,
      tpu.vector_store %arg7[%swap3A_398, %swap3A_399], %mul3A_397 {strides = array<i32>} : memref<16x1024xf32, #tpu.memory_space<vmem>>, vector<16xf32>,
      %slice3A_401 = vector.extract_strided_slice %get3A_81 {offsets = [3], sizes = [1], strides = [1]} : vector<16xf32> to vector<1xf32>
      %squeeze3A_402 = vector.extract %slice3A_401[0] : f32 from vector<1xf32>
      %broadcast_in_dim3A_403 = vector.broadcast %squeeze3A_402 : f32 to vector<16xf32>
      %get3A_404 = arith.index_cast %scan3A_76 : i32 to index
      %get3A_405 = arith.constant 608 : index
      %get3A_406 = tpu.vector_load %arg6[%get3A_404, %get3A_405] {strides = array<i32>} : memref<16x1024xf32, #tpu.memory_space<vmem>>, vector<16xf32>,
      %mul3A_407 = arith.mulf %get3A_406, %broadcast_in_dim3A_403 : vector<16xf32>
      %swap3A_408 = arith.index_cast %scan3A_76 : i32 to index
      %swap3A_409 = arith.constant 608 : index
      %swap3A_410 = tpu.vector_load %arg7[%swap3A_408, %swap3A_409] {strides = array<i32>} : memref<16x1024xf32, #tpu.memory_space<vmem>>, vector<16xf32>,
      tpu.vector_store %arg7[%swap3A_408, %swap3A_409], %mul3A_407 {strides = array<i32>} : memref<16x1024xf32, #tpu.memory_space<vmem>>, vector<16xf32>,
      %get3A_411 = arith.index_cast %scan3A_76 : i32 to index
      %get3A_412 = arith.constant 624 : index
      %get3A_413 = tpu.vector_load %arg6[%get3A_411, %get3A_412] {strides = array<i32>} : memref<16x1024xf32, #tpu.memory_space<vmem>>, vector<16xf32>,
      %mul3A_414 = arith.mulf %get3A_413, %broadcast_in_dim3A_403 : vector<16xf32>
      %swap3A_415 = arith.index_cast %scan3A_76 : i32 to index
      %swap3A_416 = arith.constant 624 : index
      %swap3A_417 = tpu.vector_load %arg7[%swap3A_415, %swap3A_416] {strides = array<i32>} : memref<16x1024xf32, #tpu.memory_space<vmem>>, vector<16xf32>,
      tpu.vector_store %arg7[%swap3A_415, %swap3A_416], %mul3A_414 {strides = array<i32>} : memref<16x1024xf32, #tpu.memory_space<vmem>>, vector<16xf32>,
      %slice3A_418 = vector.extract_strided_slice %get3A_81 {offsets = [4], sizes = [1], strides = [1]} : vector<16xf32> to vector<1xf32>
      %squeeze3A_419 = vector.extract %slice3A_418[0] : f32 from vector<1xf32>
      %broadcast_in_dim3A_420 = vector.broadcast %squeeze3A_419 : f32 to vector<16xf32>
      %get3A_421 = arith.index_cast %scan3A_76 : i32 to index
      %get3A_422 = arith.constant 640 : index
      %get3A_423 = tpu.vector_load %arg6[%get3A_421, %get3A_422] {strides = array<i32>} : memref<16x1024xf32, #tpu.memory_space<vmem>>, vector<16xf32>,
      %mul3A_424 = arith.mulf %get3A_423, %broadcast_in_dim3A_420 : vector<16xf32>
      %swap3A_425 = arith.index_cast %scan3A_76 : i32 to index
      %swap3A_426 = arith.constant 640 : index
      %swap3A_427 = tpu.vector_load %arg7[%swap3A_425, %swap3A_426] {strides = array<i32>} : memref<16x1024xf32, #tpu.memory_space<vmem>>, vector<16xf32>,
      tpu.vector_store %arg7[%swap3A_425, %swap3A_426], %mul3A_424 {strides = array<i32>} : memref<16x1024xf32, #tpu.memory_space<vmem>>, vector<16xf32>,
      %get3A_428 = arith.index_cast %scan3A_76 : i32 to index
      %get3A_429 = arith.constant 656 : index
      %get3A_430 = tpu.vector_load %arg6[%get3A_428, %get3A_429] {strides = array<i32>} : memref<16x1024xf32, #tpu.memory_space<vmem>>, vector<16xf32>,
      %mul3A_431 = arith.mulf %get3A_430, %broadcast_in_dim3A_420 : vector<16xf32>
      %swap3A_432 = arith.index_cast %scan3A_76 : i32 to index
      %swap3A_433 = arith.constant 656 : index
      %swap3A_434 = tpu.vector_load %arg7[%swap3A_432, %swap3A_433] {strides = array<i32>} : memref<16x1024xf32, #tpu.memory_space<vmem>>, vector<16xf32>,
      tpu.vector_store %arg7[%swap3A_432, %swap3A_433], %mul3A_431 {strides = array<i32>} : memref<16x1024xf32, #tpu.memory_space<vmem>>, vector<16xf32>,
      %slice3A_435 = vector.extract_strided_slice %get3A_81 {offsets = [5], sizes = [1], strides = [1]} : vector<16xf32> to vector<1xf32>
      %squeeze3A_436 = vector.extract %slice3A_435[0] : f32 from vector<1xf32>
      %broadcast_in_dim3A_437 = vector.broadcast %squeeze3A_436 : f32 to vector<16xf32>
      %get3A_438 = arith.index_cast %scan3A_76 : i32 to index
      %get3A_439 = arith.constant 672 : index
      %get3A_440 = tpu.vector_load %arg6[%get3A_438, %get3A_439] {strides = array<i32>} : memref<16x1024xf32, #tpu.memory_space<vmem>>, vector<16xf32>,
      %mul3A_441 = arith.mulf %get3A_440, %broadcast_in_dim3A_437 : vector<16xf32>
      %swap3A_442 = arith.index_cast %scan3A_76 : i32 to index
      %swap3A_443 = arith.constant 672 : index
      %swap3A_444 = tpu.vector_load %arg7[%swap3A_442, %swap3A_443] {strides = array<i32>} : memref<16x1024xf32, #tpu.memory_space<vmem>>, vector<16xf32>,
      tpu.vector_store %arg7[%swap3A_442, %swap3A_443], %mul3A_441 {strides = array<i32>} : memref<16x1024xf32, #tpu.memory_space<vmem>>, vector<16xf32>,
      %get3A_445 = arith.index_cast %scan3A_76 : i32 to index
      %get3A_446 = arith.constant 688 : index
      %get3A_447 = tpu.vector_load %arg6[%get3A_445, %get3A_446] {strides = array<i32>} : memref<16x1024xf32, #tpu.memory_space<vmem>>, vector<16xf32>,
      %mul3A_448 = arith.mulf %get3A_447, %broadcast_in_dim3A_437 : vector<16xf32>
      %swap3A_449 = arith.index_cast %scan3A_76 : i32 to index
      %swap3A_450 = arith.constant 688 : index
      %swap3A_451 = tpu.vector_load %arg7[%swap3A_449, %swap3A_450] {strides = array<i32>} : memref<16x1024xf32, #tpu.memory_space<vmem>>, vector<16xf32>,
      tpu.vector_store %arg7[%swap3A_449, %swap3A_450], %mul3A_448 {strides = array<i32>} : memref<16x1024xf32, #tpu.memory_space<vmem>>, vector<16xf32>,
      %slice3A_452 = vector.extract_strided_slice %get3A_81 {offsets = [6], sizes = [1], strides = [1]} : vector<16xf32> to vector<1xf32>
      %squeeze3A_453 = vector.extract %slice3A_452[0] : f32 from vector<1xf32>
      %broadcast_in_dim3A_454 = vector.broadcast %squeeze3A_453 : f32 to vector<16xf32>
      %get3A_455 = arith.index_cast %scan3A_76 : i32 to index
      %get3A_456 = arith.constant 704 : index
      %get3A_457 = tpu.vector_load %arg6[%get3A_455, %get3A_456] {strides = array<i32>} : memref<16x1024xf32, #tpu.memory_space<vmem>>, vector<16xf32>,
      %mul3A_458 = arith.mulf %get3A_457, %broadcast_in_dim3A_454 : vector<16xf32>
      %swap3A_459 = arith.index_cast %scan3A_76 : i32 to index
      %swap3A_460 = arith.constant 704 : index
      %swap3A_461 = tpu.vector_load %arg7[%swap3A_459, %swap3A_460] {strides = array<i32>} : memref<16x1024xf32, #tpu.memory_space<vmem>>, vector<16xf32>,
      tpu.vector_store %arg7[%swap3A_459, %swap3A_460], %mul3A_458 {strides = array<i32>} : memref<16x1024xf32, #tpu.memory_space<vmem>>, vector<16xf32>,
      %get3A_462 = arith.index_cast %scan3A_76 : i32 to index
      %get3A_463 = arith.constant 720 : index
      %get3A_464 = tpu.vector_load %arg6[%get3A_462, %get3A_463] {strides = array<i32>} : memref<16x1024xf32, #tpu.memory_space<vmem>>, vector<16xf32>,
      %mul3A_465 = arith.mulf %get3A_464, %broadcast_in_dim3A_454 : vector<16xf32>
      %swap3A_466 = arith.index_cast %scan3A_76 : i32 to index
      %swap3A_467 = arith.constant 720 : index
      %swap3A_468 = tpu.vector_load %arg7[%swap3A_466, %swap3A_467] {strides = array<i32>} : memref<16x1024xf32, #tpu.memory_space<vmem>>, vector<16xf32>,
      tpu.vector_store %arg7[%swap3A_466, %swap3A_467], %mul3A_465 {strides = array<i32>} : memref<16x1024xf32, #tpu.memory_space<vmem>>, vector<16xf32>,
      %slice3A_469 = vector.extract_strided_slice %get3A_81 {offsets = [7], sizes = [1], strides = [1]} : vector<16xf32> to vector<1xf32>
      %squeeze3A_470 = vector.extract %slice3A_469[0] : f32 from vector<1xf32>
      %broadcast_in_dim3A_471 = vector.broadcast %squeeze3A_470 : f32 to vector<16xf32>
      %get3A_472 = arith.index_cast %scan3A_76 : i32 to index
      %get3A_473 = arith.constant 736 : index
      %get3A_474 = tpu.vector_load %arg6[%get3A_472, %get3A_473] {strides = array<i32>} : memref<16x1024xf32, #tpu.memory_space<vmem>>, vector<16xf32>,
      %mul3A_475 = arith.mulf %get3A_474, %broadcast_in_dim3A_471 : vector<16xf32>
      %swap3A_476 = arith.index_cast %scan3A_76 : i32 to index
      %swap3A_477 = arith.constant 736 : index
      %swap3A_478 = tpu.vector_load %arg7[%swap3A_476, %swap3A_477] {strides = array<i32>} : memref<16x1024xf32, #tpu.memory_space<vmem>>, vector<16xf32>,
      tpu.vector_store %arg7[%swap3A_476, %swap3A_477], %mul3A_475 {strides = array<i32>} : memref<16x1024xf32, #tpu.memory_space<vmem>>, vector<16xf32>,
      %get3A_479 = arith.index_cast %scan3A_76 : i32 to index
      %get3A_480 = arith.constant 752 : index
      %get3A_481 = tpu.vector_load %arg6[%get3A_479, %get3A_480] {strides = array<i32>} : memref<16x1024xf32, #tpu.memory_space<vmem>>, vector<16xf32>,
      %mul3A_482 = arith.mulf %get3A_481, %broadcast_in_dim3A_471 : vector<16xf32>
      %swap3A_483 = arith.index_cast %scan3A_76 : i32 to index
      %swap3A_484 = arith.constant 752 : index
      %swap3A_485 = tpu.vector_load %arg7[%swap3A_483, %swap3A_484] {strides = array<i32>} : memref<16x1024xf32, #tpu.memory_space<vmem>>, vector<16xf32>,
      tpu.vector_store %arg7[%swap3A_483, %swap3A_484], %mul3A_482 {strides = array<i32>} : memref<16x1024xf32, #tpu.memory_space<vmem>>, vector<16xf32>,
      %slice3A_486 = vector.extract_strided_slice %get3A_81 {offsets = [8], sizes = [1], strides = [1]} : vector<16xf32> to vector<1xf32>
      %squeeze3A_487 = vector.extract %slice3A_486[0] : f32 from vector<1xf32>
      %broadcast_in_dim3A_488 = vector.broadcast %squeeze3A_487 : f32 to vector<16xf32>
      %get3A_489 = arith.index_cast %scan3A_76 : i32 to index
      %get3A_490 = arith.constant 768 : index
      %get3A_491 = tpu.vector_load %arg6[%get3A_489, %get3A_490] {strides = array<i32>} : memref<16x1024xf32, #tpu.memory_space<vmem>>, vector<16xf32>,
      %mul3A_492 = arith.mulf %get3A_491, %broadcast_in_dim3A_488 : vector<16xf32>
      %swap3A_493 = arith.index_cast %scan3A_76 : i32 to index
      %swap3A_494 = arith.constant 768 : index
      %swap3A_495 = tpu.vector_load %arg7[%swap3A_493, %swap3A_494] {strides = array<i32>} : memref<16x1024xf32, #tpu.memory_space<vmem>>, vector<16xf32>,
      tpu.vector_store %arg7[%swap3A_493, %swap3A_494], %mul3A_492 {strides = array<i32>} : memref<16x1024xf32, #tpu.memory_space<vmem>>, vector<16xf32>,
      %get3A_496 = arith.index_cast %scan3A_76 : i32 to index
      %get3A_497 = arith.constant 784 : index
      %get3A_498 = tpu.vector_load %arg6[%get3A_496, %get3A_497] {strides = array<i32>} : memref<16x1024xf32, #tpu.memory_space<vmem>>, vector<16xf32>,
      %mul3A_499 = arith.mulf %get3A_498, %broadcast_in_dim3A_488 : vector<16xf32>
      %swap3A_500 = arith.index_cast %scan3A_76 : i32 to index
      %swap3A_501 = arith.constant 784 : index
      %swap3A_502 = tpu.vector_load %arg7[%swap3A_500, %swap3A_501] {strides = array<i32>} : memref<16x1024xf32, #tpu.memory_space<vmem>>, vector<16xf32>,
      tpu.vector_store %arg7[%swap3A_500, %swap3A_501], %mul3A_499 {strides = array<i32>} : memref<16x1024xf32, #tpu.memory_space<vmem>>, vector<16xf32>,
      %slice3A_503 = vector.extract_strided_slice %get3A_81 {offsets = [9], sizes = [1], strides = [1]} : vector<16xf32> to vector<1xf32>
      %squeeze3A_504 = vector.extract %slice3A_503[0] : f32 from vector<1xf32>
      %broadcast_in_dim3A_505 = vector.broadcast %squeeze3A_504 : f32 to vector<16xf32>
      %get3A_506 = arith.index_cast %scan3A_76 : i32 to index
      %get3A_507 = arith.constant 800 : index
      %get3A_508 = tpu.vector_load %arg6[%get3A_506, %get3A_507] {strides = array<i32>} : memref<16x1024xf32, #tpu.memory_space<vmem>>, vector<16xf32>,
      %mul3A_509 = arith.mulf %get3A_508, %broadcast_in_dim3A_505 : vector<16xf32>
      %swap3A_510 = arith.index_cast %scan3A_76 : i32 to index
      %swap3A_511 = arith.constant 800 : index
      %swap3A_512 = tpu.vector_load %arg7[%swap3A_510, %swap3A_511] {strides = array<i32>} : memref<16x1024xf32, #tpu.memory_space<vmem>>, vector<16xf32>,
      tpu.vector_store %arg7[%swap3A_510, %swap3A_511], %mul3A_509 {strides = array<i32>} : memref<16x1024xf32, #tpu.memory_space<vmem>>, vector<16xf32>,
      %get3A_513 = arith.index_cast %scan3A_76 : i32 to index
      %get3A_514 = arith.constant 816 : index
      %get3A_515 = tpu.vector_load %arg6[%get3A_513, %get3A_514] {strides = array<i32>} : memref<16x1024xf32, #tpu.memory_space<vmem>>, vector<16xf32>,
      %mul3A_516 = arith.mulf %get3A_515, %broadcast_in_dim3A_505 : vector<16xf32>
      %swap3A_517 = arith.index_cast %scan3A_76 : i32 to index
      %swap3A_518 = arith.constant 816 : index
      %swap3A_519 = tpu.vector_load %arg7[%swap3A_517, %swap3A_518] {strides = array<i32>} : memref<16x1024xf32, #tpu.memory_space<vmem>>, vector<16xf32>,
      tpu.vector_store %arg7[%swap3A_517, %swap3A_518], %mul3A_516 {strides = array<i32>} : memref<16x1024xf32, #tpu.memory_space<vmem>>, vector<16xf32>,
      %slice3A_520 = vector.extract_strided_slice %get3A_81 {offsets = [10], sizes = [1], strides = [1]} : vector<16xf32> to vector<1xf32>
      %squeeze3A_521 = vector.extract %slice3A_520[0] : f32 from vector<1xf32>
      %broadcast_in_dim3A_522 = vector.broadcast %squeeze3A_521 : f32 to vector<16xf32>
      %get3A_523 = arith.index_cast %scan3A_76 : i32 to index
      %get3A_524 = arith.constant 832 : index
      %get3A_525 = tpu.vector_load %arg6[%get3A_523, %get3A_524] {strides = array<i32>} : memref<16x1024xf32, #tpu.memory_space<vmem>>, vector<16xf32>,
      %mul3A_526 = arith.mulf %get3A_525, %broadcast_in_dim3A_522 : vector<16xf32>
      %swap3A_527 = arith.index_cast %scan3A_76 : i32 to index
      %swap3A_528 = arith.constant 832 : index
      %swap3A_529 = tpu.vector_load %arg7[%swap3A_527, %swap3A_528] {strides = array<i32>} : memref<16x1024xf32, #tpu.memory_space<vmem>>, vector<16xf32>,
      tpu.vector_store %arg7[%swap3A_527, %swap3A_528], %mul3A_526 {strides = array<i32>} : memref<16x1024xf32, #tpu.memory_space<vmem>>, vector<16xf32>,
      %get3A_530 = arith.index_cast %scan3A_76 : i32 to index
      %get3A_531 = arith.constant 848 : index
      %get3A_532 = tpu.vector_load %arg6[%get3A_530, %get3A_531] {strides = array<i32>} : memref<16x1024xf32, #tpu.memory_space<vmem>>, vector<16xf32>,
      %mul3A_533 = arith.mulf %get3A_532, %broadcast_in_dim3A_522 : vector<16xf32>
      %swap3A_534 = arith.index_cast %scan3A_76 : i32 to index
      %swap3A_535 = arith.constant 848 : index
      %swap3A_536 = tpu.vector_load %arg7[%swap3A_534, %swap3A_535] {strides = array<i32>} : memref<16x1024xf32, #tpu.memory_space<vmem>>, vector<16xf32>,
      tpu.vector_store %arg7[%swap3A_534, %swap3A_535], %mul3A_533 {strides = array<i32>} : memref<16x1024xf32, #tpu.memory_space<vmem>>, vector<16xf32>,
      %slice3A_537 = vector.extract_strided_slice %get3A_81 {offsets = [11], sizes = [1], strides = [1]} : vector<16xf32> to vector<1xf32>
      %squeeze3A_538 = vector.extract %slice3A_537[0] : f32 from vector<1xf32>
      %broadcast_in_dim3A_539 = vector.broadcast %squeeze3A_538 : f32 to vector<16xf32>
      %get3A_540 = arith.index_cast %scan3A_76 : i32 to index
      %get3A_541 = arith.constant 864 : index
      %get3A_542 = tpu.vector_load %arg6[%get3A_540, %get3A_541] {strides = array<i32>} : memref<16x1024xf32, #tpu.memory_space<vmem>>, vector<16xf32>,
      %mul3A_543 = arith.mulf %get3A_542, %broadcast_in_dim3A_539 : vector<16xf32>
      %swap3A_544 = arith.index_cast %scan3A_76 : i32 to index
      %swap3A_545 = arith.constant 864 : index
      %swap3A_546 = tpu.vector_load %arg7[%swap3A_544, %swap3A_545] {strides = array<i32>} : memref<16x1024xf32, #tpu.memory_space<vmem>>, vector<16xf32>,
      tpu.vector_store %arg7[%swap3A_544, %swap3A_545], %mul3A_543 {strides = array<i32>} : memref<16x1024xf32, #tpu.memory_space<vmem>>, vector<16xf32>,
      %get3A_547 = arith.index_cast %scan3A_76 : i32 to index
      %get3A_548 = arith.constant 880 : index
      %get3A_549 = tpu.vector_load %arg6[%get3A_547, %get3A_548] {strides = array<i32>} : memref<16x1024xf32, #tpu.memory_space<vmem>>, vector<16xf32>,
      %mul3A_550 = arith.mulf %get3A_549, %broadcast_in_dim3A_539 : vector<16xf32>
      %swap3A_551 = arith.index_cast %scan3A_76 : i32 to index
      %swap3A_552 = arith.constant 880 : index
      %swap3A_553 = tpu.vector_load %arg7[%swap3A_551, %swap3A_552] {strides = array<i32>} : memref<16x1024xf32, #tpu.memory_space<vmem>>, vector<16xf32>,
      tpu.vector_store %arg7[%swap3A_551, %swap3A_552], %mul3A_550 {strides = array<i32>} : memref<16x1024xf32, #tpu.memory_space<vmem>>, vector<16xf32>,
      %slice3A_554 = vector.extract_strided_slice %get3A_81 {offsets = [12], sizes = [1], strides = [1]} : vector<16xf32> to vector<1xf32>
      %squeeze3A_555 = vector.extract %slice3A_554[0] : f32 from vector<1xf32>
      %broadcast_in_dim3A_556 = vector.broadcast %squeeze3A_555 : f32 to vector<16xf32>
      %get3A_557 = arith.index_cast %scan3A_76 : i32 to index
      %get3A_558 = arith.constant 896 : index
      %get3A_559 = tpu.vector_load %arg6[%get3A_557, %get3A_558] {strides = array<i32>} : memref<16x1024xf32, #tpu.memory_space<vmem>>, vector<16xf32>,
      %mul3A_560 = arith.mulf %get3A_559, %broadcast_in_dim3A_556 : vector<16xf32>
      %swap3A_561 = arith.index_cast %scan3A_76 : i32 to index
      %swap3A_562 = arith.constant 896 : index
      %swap3A_563 = tpu.vector_load %arg7[%swap3A_561, %swap3A_562] {strides = array<i32>} : memref<16x1024xf32, #tpu.memory_space<vmem>>, vector<16xf32>,
      tpu.vector_store %arg7[%swap3A_561, %swap3A_562], %mul3A_560 {strides = array<i32>} : memref<16x1024xf32, #tpu.memory_space<vmem>>, vector<16xf32>,
      %get3A_564 = arith.index_cast %scan3A_76 : i32 to index
      %get3A_565 = arith.constant 912 : index
      %get3A_566 = tpu.vector_load %arg6[%get3A_564, %get3A_565] {strides = array<i32>} : memref<16x1024xf32, #tpu.memory_space<vmem>>, vector<16xf32>,
      %mul3A_567 = arith.mulf %get3A_566, %broadcast_in_dim3A_556 : vector<16xf32>
      %swap3A_568 = arith.index_cast %scan3A_76 : i32 to index
      %swap3A_569 = arith.constant 912 : index
      %swap3A_570 = tpu.vector_load %arg7[%swap3A_568, %swap3A_569] {strides = array<i32>} : memref<16x1024xf32, #tpu.memory_space<vmem>>, vector<16xf32>,
      tpu.vector_store %arg7[%swap3A_568, %swap3A_569], %mul3A_567 {strides = array<i32>} : memref<16x1024xf32, #tpu.memory_space<vmem>>, vector<16xf32>,
      %slice3A_571 = vector.extract_strided_slice %get3A_81 {offsets = [13], sizes = [1], strides = [1]} : vector<16xf32> to vector<1xf32>
      %squeeze3A_572 = vector.extract %slice3A_571[0] : f32 from vector<1xf32>
      %broadcast_in_dim3A_573 = vector.broadcast %squeeze3A_572 : f32 to vector<16xf32>
      %get3A_574 = arith.index_cast %scan3A_76 : i32 to index
      %get3A_575 = arith.constant 928 : index
      %get3A_576 = tpu.vector_load %arg6[%get3A_574, %get3A_575] {strides = array<i32>} : memref<16x1024xf32, #tpu.memory_space<vmem>>, vector<16xf32>,
      %mul3A_577 = arith.mulf %get3A_576, %broadcast_in_dim3A_573 : vector<16xf32>
      %swap3A_578 = arith.index_cast %scan3A_76 : i32 to index
      %swap3A_579 = arith.constant 928 : index
      %swap3A_580 = tpu.vector_load %arg7[%swap3A_578, %swap3A_579] {strides = array<i32>} : memref<16x1024xf32, #tpu.memory_space<vmem>>, vector<16xf32>,
      tpu.vector_store %arg7[%swap3A_578, %swap3A_579], %mul3A_577 {strides = array<i32>} : memref<16x1024xf32, #tpu.memory_space<vmem>>, vector<16xf32>,
      %get3A_581 = arith.index_cast %scan3A_76 : i32 to index
      %get3A_582 = arith.constant 944 : index
      %get3A_583 = tpu.vector_load %arg6[%get3A_581, %get3A_582] {strides = array<i32>} : memref<16x1024xf32, #tpu.memory_space<vmem>>, vector<16xf32>,
      %mul3A_584 = arith.mulf %get3A_583, %broadcast_in_dim3A_573 : vector<16xf32>
      %swap3A_585 = arith.index_cast %scan3A_76 : i32 to index
      %swap3A_586 = arith.constant 944 : index
      %swap3A_587 = tpu.vector_load %arg7[%swap3A_585, %swap3A_586] {strides = array<i32>} : memref<16x1024xf32, #tpu.memory_space<vmem>>, vector<16xf32>,
      tpu.vector_store %arg7[%swap3A_585, %swap3A_586], %mul3A_584 {strides = array<i32>} : memref<16x1024xf32, #tpu.memory_space<vmem>>, vector<16xf32>,
      %slice3A_588 = vector.extract_strided_slice %get3A_81 {offsets = [14], sizes = [1], strides = [1]} : vector<16xf32> to vector<1xf32>
      %squeeze3A_589 = vector.extract %slice3A_588[0] : f32 from vector<1xf32>
      %broadcast_in_dim3A_590 = vector.broadcast %squeeze3A_589 : f32 to vector<16xf32>
      %get3A_591 = arith.index_cast %scan3A_76 : i32 to index
      %get3A_592 = arith.constant 960 : index
      %get3A_593 = tpu.vector_load %arg6[%get3A_591, %get3A_592] {strides = array<i32>} : memref<16x1024xf32, #tpu.memory_space<vmem>>, vector<16xf32>,
      %mul3A_594 = arith.mulf %get3A_593, %broadcast_in_dim3A_590 : vector<16xf32>
      %swap3A_595 = arith.index_cast %scan3A_76 : i32 to index
      %swap3A_596 = arith.constant 960 : index
      %swap3A_597 = tpu.vector_load %arg7[%swap3A_595, %swap3A_596] {strides = array<i32>} : memref<16x1024xf32, #tpu.memory_space<vmem>>, vector<16xf32>,
      tpu.vector_store %arg7[%swap3A_595, %swap3A_596], %mul3A_594 {strides = array<i32>} : memref<16x1024xf32, #tpu.memory_space<vmem>>, vector<16xf32>,
      %get3A_598 = arith.index_cast %scan3A_76 : i32 to index
      %get3A_599 = arith.constant 976 : index
      %get3A_600 = tpu.vector_load %arg6[%get3A_598, %get3A_599] {strides = array<i32>} : memref<16x1024xf32, #tpu.memory_space<vmem>>, vector<16xf32>,
      %mul3A_601 = arith.mulf %get3A_600, %broadcast_in_dim3A_590 : vector<16xf32>
      %swap3A_602 = arith.index_cast %scan3A_76 : i32 to index
      %swap3A_603 = arith.constant 976 : index
      %swap3A_604 = tpu.vector_load %arg7[%swap3A_602, %swap3A_603] {strides = array<i32>} : memref<16x1024xf32, #tpu.memory_space<vmem>>, vector<16xf32>,
      tpu.vector_store %arg7[%swap3A_602, %swap3A_603], %mul3A_601 {strides = array<i32>} : memref<16x1024xf32, #tpu.memory_space<vmem>>, vector<16xf32>,
      %slice3A_605 = vector.extract_strided_slice %get3A_81 {offsets = [15], sizes = [1], strides = [1]} : vector<16xf32> to vector<1xf32>
      %squeeze3A_606 = vector.extract %slice3A_605[0] : f32 from vector<1xf32>
      %broadcast_in_dim3A_607 = vector.broadcast %squeeze3A_606 : f32 to vector<16xf32>
      %get3A_608 = arith.index_cast %scan3A_76 : i32 to index
      %get3A_609 = arith.constant 992 : index
      %get3A_610 = tpu.vector_load %arg6[%get3A_608, %get3A_609] {strides = array<i32>} : memref<16x1024xf32, #tpu.memory_space<vmem>>, vector<16xf32>,
      %mul3A_611 = arith.mulf %get3A_610, %broadcast_in_dim3A_607 : vector<16xf32>
      %swap3A_612 = arith.index_cast %scan3A_76 : i32 to index
      %swap3A_613 = arith.constant 992 : index
      %swap3A_614 = tpu.vector_load %arg7[%swap3A_612, %swap3A_613] {strides = array<i32>} : memref<16x1024xf32, #tpu.memory_space<vmem>>, vector<16xf32>,
      tpu.vector_store %arg7[%swap3A_612, %swap3A_613], %mul3A_611 {strides = array<i32>} : memref<16x1024xf32, #tpu.memory_space<vmem>>, vector<16xf32>,
      %get3A_615 = arith.index_cast %scan3A_76 : i32 to index
      %get3A_616 = arith.constant 1008 : index
      %get3A_617 = tpu.vector_load %arg6[%get3A_615, %get3A_616] {strides = array<i32>} : memref<16x1024xf32, #tpu.memory_space<vmem>>, vector<16xf32>,
      %mul3A_618 = arith.mulf %get3A_617, %broadcast_in_dim3A_607 : vector<16xf32>
      %swap3A_619 = arith.index_cast %scan3A_76 : i32 to index
      %swap3A_620 = arith.constant 1008 : index
      %swap3A_621 = tpu.vector_load %arg7[%swap3A_619, %swap3A_620] {strides = array<i32>} : memref<16x1024xf32, #tpu.memory_space<vmem>>, vector<16xf32>,
      tpu.vector_store %arg7[%swap3A_619, %swap3A_620], %mul3A_618 {strides = array<i32>} : memref<16x1024xf32, #tpu.memory_space<vmem>>, vector<16xf32>,
    }
    %scan3A_37 = arith.constant 8 : i32
    %dma_start3A_38 = arith.constant 0 : i32
    %dma_start3A_39 = arith.constant 0 : i32
    %dma_start3A_40 = tpu.memref_slice %arg7[%dma_start3A_38, %dma_start3A_39] : memref<16x1024xf32, #tpu.memory_space<vmem>> -> memref<8x1024xf32, #tpu.memory_space<vmem>>
    %dma_start3A_41 = arith.constant 0 : i32
    %dma_start3A_42 = tpu.memref_slice %arg4[%mul3A_2, %dma_start3A_41] : memref<512x1024xf32, #tpu.memory_space<hbm>> -> memref<8x1024xf32, #tpu.memory_space<hbm>>
    %dma_start3A_43 = arith.constant 0 : i32
    %dma_start3A_44 = tpu.memref_slice %arg4[%mul3A_2, %dma_start3A_43] : memref<512x1024xf32, #tpu.memory_space<hbm>> -> memref<8x1024xf32, #tpu.memory_space<hbm>>
    %dma_start3A_45 = arith.constant 0 : i32
    %dma_start3A_46 = arith.constant 0 : i32
    %dma_start3A_47 = tpu.memref_slice %arg7[%dma_start3A_45, %dma_start3A_46] : memref<16x1024xf32, #tpu.memory_space<vmem>> -> memref<8x1024xf32, #tpu.memory_space<vmem>>
    tpu.enqueue_dma source(%dma_start3A_47 : memref<8x1024xf32, #tpu.memory_space<vmem>>) target(%dma_start3A_44 : memref<8x1024xf32, #tpu.memory_space<hbm>>) target_semaphore(%arg10 : memref<!tpu.dma_semaphore, #tpu.memory_space<semaphore_mem>>)
    %dma_wait3A_48 = arith.constant 8 : i32
    %dma_wait3A_49 = arith.constant 0 : i32
    %dma_wait3A_50 = tpu.memref_slice %arg6[%dma_wait3A_48, %dma_wait3A_49] : memref<16x1024xf32, #tpu.memory_space<vmem>> -> memref<8x1024xf32, #tpu.memory_space<vmem>>
    %dma_wait3A_51 = arith.constant 0 : i32
    %dma_wait3A_52 = tpu.memref_slice %arg2[%add3A_13, %dma_wait3A_51] : memref<512x1024xf32, #tpu.memory_space<hbm>> -> memref<8x1024xf32, #tpu.memory_space<hbm>>
    %dma_wait3A_53 = arith.constant 8 : i32
    %dma_wait3A_54 = arith.constant 0 : i32
    %dma_wait3A_55 = tpu.memref_slice %arg6[%dma_wait3A_53, %dma_wait3A_54] : memref<16x1024xf32, #tpu.memory_space<vmem>> -> memref<8x1024xf32, #tpu.memory_space<vmem>>
    %dma_wait3A_56 = arith.constant 0 : i32
    %dma_wait3A_57 = tpu.memref_slice %arg2[%add3A_13, %dma_wait3A_56] : memref<512x1024xf32, #tpu.memory_space<hbm>> -> memref<8x1024xf32, #tpu.memory_space<hbm>>
    tpu.wait_dma2 semaphore(%arg9 : memref<!tpu.dma_semaphore, #tpu.memory_space<semaphore_mem>>) src(%dma_wait3A_57 : memref<8x1024xf32, #tpu.memory_space<hbm>>) dst(%dma_wait3A_55 : memref<8x1024xf32, #tpu.memory_space<vmem>>)
    %scan3A_58 = arith.constant 0 : i32
    %scan3A_59 = arith.constant 8 : i32
    %scan3A_60 = arith.constant 8 : i32
    %scan3A_61 = arith.addi %scan3A_59, %scan3A_60 : i32
    %scan3A_62 = arith.constant 1 : i32
    scf.for %scan3A_76 = %scan3A_59 to %scan3A_61 step %scan3A_62  : i32 {
      %get3A = arith.index_cast %scan3A_76 : i32 to index
      %get3A_77 = arith.constant 0 : index
      %get3A_78 = tpu.vector_load %arg5[%get3A, %get3A_77] {strides = array<i32>} : memref<16x32xf32, #tpu.memory_space<vmem>>, vector<16xf32>,
      %get3A_79 = arith.index_cast %scan3A_76 : i32 to index
      %get3A_80 = arith.constant 16 : index
      %get3A_81 = tpu.vector_load %arg5[%get3A_79, %get3A_80] {strides = array<i32>} : memref<16x32xf32, #tpu.memory_space<vmem>>, vector<16xf32>,
      %slice3A = vector.extract_strided_slice %get3A_78 {offsets = [0], sizes = [1], strides = [1]} : vector<16xf32> to vector<1xf32>
      %squeeze3A = vector.extract %slice3A[0] : f32 from vector<1xf32>
      %broadcast_in_dim3A = vector.broadcast %squeeze3A : f32 to vector<16xf32>
      %get3A_82 = arith.index_cast %scan3A_76 : i32 to index
      %get3A_83 = arith.constant 0 : index
      %get3A_84 = tpu.vector_load %arg6[%get3A_82, %get3A_83] {strides = array<i32>} : memref<16x1024xf32, #tpu.memory_space<vmem>>, vector<16xf32>,
      %mul3A_85 = arith.mulf %get3A_84, %broadcast_in_dim3A : vector<16xf32>
      %swap3A = arith.index_cast %scan3A_76 : i32 to index
      %swap3A_86 = arith.constant 0 : index
      %swap3A_87 = tpu.vector_load %arg7[%swap3A, %swap3A_86] {strides = array<i32>} : memref<16x1024xf32, #tpu.memory_space<vmem>>, vector<16xf32>,
      tpu.vector_store %arg7[%swap3A, %swap3A_86], %mul3A_85 {strides = array<i32>} : memref<16x1024xf32, #tpu.memory_space<vmem>>, vector<16xf32>,
      %get3A_88 = arith.index_cast %scan3A_76 : i32 to index
      %get3A_89 = arith.constant 16 : index
      %get3A_90 = tpu.vector_load %arg6[%get3A_88, %get3A_89] {strides = array<i32>} : memref<16x1024xf32, #tpu.memory_space<vmem>>, vector<16xf32>,
      %mul3A_91 = arith.mulf %get3A_90, %broadcast_in_dim3A : vector<16xf32>
      %swap3A_92 = arith.index_cast %scan3A_76 : i32 to index
      %swap3A_93 = arith.constant 16 : index
      %swap3A_94 = tpu.vector_load %arg7[%swap3A_92, %swap3A_93] {strides = array<i32>} : memref<16x1024xf32, #tpu.memory_space<vmem>>, vector<16xf32>,
      tpu.vector_store %arg7[%swap3A_92, %swap3A_93], %mul3A_91 {strides = array<i32>} : memref<16x1024xf32, #tpu.memory_space<vmem>>, vector<16xf32>,
      %slice3A_95 = vector.extract_strided_slice %get3A_78 {offsets = [1], sizes = [1], strides = [1]} : vector<16xf32> to vector<1xf32>
      %squeeze3A_96 = vector.extract %slice3A_95[0] : f32 from vector<1xf32>
      %broadcast_in_dim3A_97 = vector.broadcast %squeeze3A_96 : f32 to vector<16xf32>
      %get3A_98 = arith.index_cast %scan3A_76 : i32 to index
      %get3A_99 = arith.constant 32 : index
      %get3A_100 = tpu.vector_load %arg6[%get3A_98, %get3A_99] {strides = array<i32>} : memref<16x1024xf32, #tpu.memory_space<vmem>>, vector<16xf32>,
      %mul3A_101 = arith.mulf %get3A_100, %broadcast_in_dim3A_97 : vector<16xf32>
      %swap3A_102 = arith.index_cast %scan3A_76 : i32 to index
      %swap3A_103 = arith.constant 32 : index
      %swap3A_104 = tpu.vector_load %arg7[%swap3A_102, %swap3A_103] {strides = array<i32>} : memref<16x1024xf32, #tpu.memory_space<vmem>>, vector<16xf32>,
      tpu.vector_store %arg7[%swap3A_102, %swap3A_103], %mul3A_101 {strides = array<i32>} : memref<16x1024xf32, #tpu.memory_space<vmem>>, vector<16xf32>,
      %get3A_105 = arith.index_cast %scan3A_76 : i32 to index
      %get3A_106 = arith.constant 48 : index
      %get3A_107 = tpu.vector_load %arg6[%get3A_105, %get3A_106] {strides = array<i32>} : memref<16x1024xf32, #tpu.memory_space<vmem>>, vector<16xf32>,
      %mul3A_108 = arith.mulf %get3A_107, %broadcast_in_dim3A_97 : vector<16xf32>
      %swap3A_109 = arith.index_cast %scan3A_76 : i32 to index
      %swap3A_110 = arith.constant 48 : index
      %swap3A_111 = tpu.vector_load %arg7[%swap3A_109, %swap3A_110] {strides = array<i32>} : memref<16x1024xf32, #tpu.memory_space<vmem>>, vector<16xf32>,
      tpu.vector_store %arg7[%swap3A_109, %swap3A_110], %mul3A_108 {strides = array<i32>} : memref<16x1024xf32, #tpu.memory_space<vmem>>, vector<16xf32>,
      %slice3A_112 = vector.extract_strided_slice %get3A_78 {offsets = [2], sizes = [1], strides = [1]} : vector<16xf32> to vector<1xf32>
      %squeeze3A_113 = vector.extract %slice3A_112[0] : f32 from vector<1xf32>
      %broadcast_in_dim3A_114 = vector.broadcast %squeeze3A_113 : f32 to vector<16xf32>
      %get3A_115 = arith.index_cast %scan3A_76 : i32 to index
      %get3A_116 = arith.constant 64 : index
      %get3A_117 = tpu.vector_load %arg6[%get3A_115, %get3A_116] {strides = array<i32>} : memref<16x1024xf32, #tpu.memory_space<vmem>>, vector<16xf32>,
      %mul3A_118 = arith.mulf %get3A_117, %broadcast_in_dim3A_114 : vector<16xf32>
      %swap3A_119 = arith.index_cast %scan3A_76 : i32 to index
      %swap3A_120 = arith.constant 64 : index
      %swap3A_121 = tpu.vector_load %arg7[%swap3A_119, %swap3A_120] {strides = array<i32>} : memref<16x1024xf32, #tpu.memory_space<vmem>>, vector<16xf32>,
      tpu.vector_store %arg7[%swap3A_119, %swap3A_120], %mul3A_118 {strides = array<i32>} : memref<16x1024xf32, #tpu.memory_space<vmem>>, vector<16xf32>,
      %get3A_122 = arith.index_cast %scan3A_76 : i32 to index
      %get3A_123 = arith.constant 80 : index
      %get3A_124 = tpu.vector_load %arg6[%get3A_122, %get3A_123] {strides = array<i32>} : memref<16x1024xf32, #tpu.memory_space<vmem>>, vector<16xf32>,
      %mul3A_125 = arith.mulf %get3A_124, %broadcast_in_dim3A_114 : vector<16xf32>
      %swap3A_126 = arith.index_cast %scan3A_76 : i32 to index
      %swap3A_127 = arith.constant 80 : index
      %swap3A_128 = tpu.vector_load %arg7[%swap3A_126, %swap3A_127] {strides = array<i32>} : memref<16x1024xf32, #tpu.memory_space<vmem>>, vector<16xf32>,
      tpu.vector_store %arg7[%swap3A_126, %swap3A_127], %mul3A_125 {strides = array<i32>} : memref<16x1024xf32, #tpu.memory_space<vmem>>, vector<16xf32>,
      %slice3A_129 = vector.extract_strided_slice %get3A_78 {offsets = [3], sizes = [1], strides = [1]} : vector<16xf32> to vector<1xf32>
      %squeeze3A_130 = vector.extract %slice3A_129[0] : f32 from vector<1xf32>
      %broadcast_in_dim3A_131 = vector.broadcast %squeeze3A_130 : f32 to vector<16xf32>
      %get3A_132 = arith.index_cast %scan3A_76 : i32 to index
      %get3A_133 = arith.constant 96 : index
      %get3A_134 = tpu.vector_load %arg6[%get3A_132, %get3A_133] {strides = array<i32>} : memref<16x1024xf32, #tpu.memory_space<vmem>>, vector<16xf32>,
      %mul3A_135 = arith.mulf %get3A_134, %broadcast_in_dim3A_131 : vector<16xf32>
      %swap3A_136 = arith.index_cast %scan3A_76 : i32 to index
      %swap3A_137 = arith.constant 96 : index
      %swap3A_138 = tpu.vector_load %arg7[%swap3A_136, %swap3A_137] {strides = array<i32>} : memref<16x1024xf32, #tpu.memory_space<vmem>>, vector<16xf32>,
      tpu.vector_store %arg7[%swap3A_136, %swap3A_137], %mul3A_135 {strides = array<i32>} : memref<16x1024xf32, #tpu.memory_space<vmem>>, vector<16xf32>,
      %get3A_139 = arith.index_cast %scan3A_76 : i32 to index
      %get3A_140 = arith.constant 112 : index
      %get3A_141 = tpu.vector_load %arg6[%get3A_139, %get3A_140] {strides = array<i32>} : memref<16x1024xf32, #tpu.memory_space<vmem>>, vector<16xf32>,
      %mul3A_142 = arith.mulf %get3A_141, %broadcast_in_dim3A_131 : vector<16xf32>
      %swap3A_143 = arith.index_cast %scan3A_76 : i32 to index
      %swap3A_144 = arith.constant 112 : index
      %swap3A_145 = tpu.vector_load %arg7[%swap3A_143, %swap3A_144] {strides = array<i32>} : memref<16x1024xf32, #tpu.memory_space<vmem>>, vector<16xf32>,
      tpu.vector_store %arg7[%swap3A_143, %swap3A_144], %mul3A_142 {strides = array<i32>} : memref<16x1024xf32, #tpu.memory_space<vmem>>, vector<16xf32>,
      %slice3A_146 = vector.extract_strided_slice %get3A_78 {offsets = [4], sizes = [1], strides = [1]} : vector<16xf32> to vector<1xf32>
      %squeeze3A_147 = vector.extract %slice3A_146[0] : f32 from vector<1xf32>
      %broadcast_in_dim3A_148 = vector.broadcast %squeeze3A_147 : f32 to vector<16xf32>
      %get3A_149 = arith.index_cast %scan3A_76 : i32 to index
      %get3A_150 = arith.constant 128 : index
      %get3A_151 = tpu.vector_load %arg6[%get3A_149, %get3A_150] {strides = array<i32>} : memref<16x1024xf32, #tpu.memory_space<vmem>>, vector<16xf32>,
      %mul3A_152 = arith.mulf %get3A_151, %broadcast_in_dim3A_148 : vector<16xf32>
      %swap3A_153 = arith.index_cast %scan3A_76 : i32 to index
      %swap3A_154 = arith.constant 128 : index
      %swap3A_155 = tpu.vector_load %arg7[%swap3A_153, %swap3A_154] {strides = array<i32>} : memref<16x1024xf32, #tpu.memory_space<vmem>>, vector<16xf32>,
      tpu.vector_store %arg7[%swap3A_153, %swap3A_154], %mul3A_152 {strides = array<i32>} : memref<16x1024xf32, #tpu.memory_space<vmem>>, vector<16xf32>,
      %get3A_156 = arith.index_cast %scan3A_76 : i32 to index
      %get3A_157 = arith.constant 144 : index
      %get3A_158 = tpu.vector_load %arg6[%get3A_156, %get3A_157] {strides = array<i32>} : memref<16x1024xf32, #tpu.memory_space<vmem>>, vector<16xf32>,
      %mul3A_159 = arith.mulf %get3A_158, %broadcast_in_dim3A_148 : vector<16xf32>
      %swap3A_160 = arith.index_cast %scan3A_76 : i32 to index
      %swap3A_161 = arith.constant 144 : index
      %swap3A_162 = tpu.vector_load %arg7[%swap3A_160, %swap3A_161] {strides = array<i32>} : memref<16x1024xf32, #tpu.memory_space<vmem>>, vector<16xf32>,
      tpu.vector_store %arg7[%swap3A_160, %swap3A_161], %mul3A_159 {strides = array<i32>} : memref<16x1024xf32, #tpu.memory_space<vmem>>, vector<16xf32>,
      %slice3A_163 = vector.extract_strided_slice %get3A_78 {offsets = [5], sizes = [1], strides = [1]} : vector<16xf32> to vector<1xf32>
      %squeeze3A_164 = vector.extract %slice3A_163[0] : f32 from vector<1xf32>
      %broadcast_in_dim3A_165 = vector.broadcast %squeeze3A_164 : f32 to vector<16xf32>
      %get3A_166 = arith.index_cast %scan3A_76 : i32 to index
      %get3A_167 = arith.constant 160 : index
      %get3A_168 = tpu.vector_load %arg6[%get3A_166, %get3A_167] {strides = array<i32>} : memref<16x1024xf32, #tpu.memory_space<vmem>>, vector<16xf32>,
      %mul3A_169 = arith.mulf %get3A_168, %broadcast_in_dim3A_165 : vector<16xf32>
      %swap3A_170 = arith.index_cast %scan3A_76 : i32 to index
      %swap3A_171 = arith.constant 160 : index
      %swap3A_172 = tpu.vector_load %arg7[%swap3A_170, %swap3A_171] {strides = array<i32>} : memref<16x1024xf32, #tpu.memory_space<vmem>>, vector<16xf32>,
      tpu.vector_store %arg7[%swap3A_170, %swap3A_171], %mul3A_169 {strides = array<i32>} : memref<16x1024xf32, #tpu.memory_space<vmem>>, vector<16xf32>,
      %get3A_173 = arith.index_cast %scan3A_76 : i32 to index
      %get3A_174 = arith.constant 176 : index
      %get3A_175 = tpu.vector_load %arg6[%get3A_173, %get3A_174] {strides = array<i32>} : memref<16x1024xf32, #tpu.memory_space<vmem>>, vector<16xf32>,
      %mul3A_176 = arith.mulf %get3A_175, %broadcast_in_dim3A_165 : vector<16xf32>
      %swap3A_177 = arith.index_cast %scan3A_76 : i32 to index
      %swap3A_178 = arith.constant 176 : index
      %swap3A_179 = tpu.vector_load %arg7[%swap3A_177, %swap3A_178] {strides = array<i32>} : memref<16x1024xf32, #tpu.memory_space<vmem>>, vector<16xf32>,
      tpu.vector_store %arg7[%swap3A_177, %swap3A_178], %mul3A_176 {strides = array<i32>} : memref<16x1024xf32, #tpu.memory_space<vmem>>, vector<16xf32>,
      %slice3A_180 = vector.extract_strided_slice %get3A_78 {offsets = [6], sizes = [1], strides = [1]} : vector<16xf32> to vector<1xf32>
      %squeeze3A_181 = vector.extract %slice3A_180[0] : f32 from vector<1xf32>
      %broadcast_in_dim3A_182 = vector.broadcast %squeeze3A_181 : f32 to vector<16xf32>
      %get3A_183 = arith.index_cast %scan3A_76 : i32 to index
      %get3A_184 = arith.constant 192 : index
      %get3A_185 = tpu.vector_load %arg6[%get3A_183, %get3A_184] {strides = array<i32>} : memref<16x1024xf32, #tpu.memory_space<vmem>>, vector<16xf32>,
      %mul3A_186 = arith.mulf %get3A_185, %broadcast_in_dim3A_182 : vector<16xf32>
      %swap3A_187 = arith.index_cast %scan3A_76 : i32 to index
      %swap3A_188 = arith.constant 192 : index
      %swap3A_189 = tpu.vector_load %arg7[%swap3A_187, %swap3A_188] {strides = array<i32>} : memref<16x1024xf32, #tpu.memory_space<vmem>>, vector<16xf32>,
      tpu.vector_store %arg7[%swap3A_187, %swap3A_188], %mul3A_186 {strides = array<i32>} : memref<16x1024xf32, #tpu.memory_space<vmem>>, vector<16xf32>,
      %get3A_190 = arith.index_cast %scan3A_76 : i32 to index
      %get3A_191 = arith.constant 208 : index
      %get3A_192 = tpu.vector_load %arg6[%get3A_190, %get3A_191] {strides = array<i32>} : memref<16x1024xf32, #tpu.memory_space<vmem>>, vector<16xf32>,
      %mul3A_193 = arith.mulf %get3A_192, %broadcast_in_dim3A_182 : vector<16xf32>
      %swap3A_194 = arith.index_cast %scan3A_76 : i32 to index
      %swap3A_195 = arith.constant 208 : index
      %swap3A_196 = tpu.vector_load %arg7[%swap3A_194, %swap3A_195] {strides = array<i32>} : memref<16x1024xf32, #tpu.memory_space<vmem>>, vector<16xf32>,
      tpu.vector_store %arg7[%swap3A_194, %swap3A_195], %mul3A_193 {strides = array<i32>} : memref<16x1024xf32, #tpu.memory_space<vmem>>, vector<16xf32>,
      %slice3A_197 = vector.extract_strided_slice %get3A_78 {offsets = [7], sizes = [1], strides = [1]} : vector<16xf32> to vector<1xf32>
      %squeeze3A_198 = vector.extract %slice3A_197[0] : f32 from vector<1xf32>
      %broadcast_in_dim3A_199 = vector.broadcast %squeeze3A_198 : f32 to vector<16xf32>
      %get3A_200 = arith.index_cast %scan3A_76 : i32 to index
      %get3A_201 = arith.constant 224 : index
      %get3A_202 = tpu.vector_load %arg6[%get3A_200, %get3A_201] {strides = array<i32>} : memref<16x1024xf32, #tpu.memory_space<vmem>>, vector<16xf32>,
      %mul3A_203 = arith.mulf %get3A_202, %broadcast_in_dim3A_199 : vector<16xf32>
      %swap3A_204 = arith.index_cast %scan3A_76 : i32 to index
      %swap3A_205 = arith.constant 224 : index
      %swap3A_206 = tpu.vector_load %arg7[%swap3A_204, %swap3A_205] {strides = array<i32>} : memref<16x1024xf32, #tpu.memory_space<vmem>>, vector<16xf32>,
      tpu.vector_store %arg7[%swap3A_204, %swap3A_205], %mul3A_203 {strides = array<i32>} : memref<16x1024xf32, #tpu.memory_space<vmem>>, vector<16xf32>,
      %get3A_207 = arith.index_cast %scan3A_76 : i32 to index
      %get3A_208 = arith.constant 240 : index
      %get3A_209 = tpu.vector_load %arg6[%get3A_207, %get3A_208] {strides = array<i32>} : memref<16x1024xf32, #tpu.memory_space<vmem>>, vector<16xf32>,
      %mul3A_210 = arith.mulf %get3A_209, %broadcast_in_dim3A_199 : vector<16xf32>
      %swap3A_211 = arith.index_cast %scan3A_76 : i32 to index
      %swap3A_212 = arith.constant 240 : index
      %swap3A_213 = tpu.vector_load %arg7[%swap3A_211, %swap3A_212] {strides = array<i32>} : memref<16x1024xf32, #tpu.memory_space<vmem>>, vector<16xf32>,
      tpu.vector_store %arg7[%swap3A_211, %swap3A_212], %mul3A_210 {strides = array<i32>} : memref<16x1024xf32, #tpu.memory_space<vmem>>, vector<16xf32>,
      %slice3A_214 = vector.extract_strided_slice %get3A_78 {offsets = [8], sizes = [1], strides = [1]} : vector<16xf32> to vector<1xf32>
      %squeeze3A_215 = vector.extract %slice3A_214[0] : f32 from vector<1xf32>
      %broadcast_in_dim3A_216 = vector.broadcast %squeeze3A_215 : f32 to vector<16xf32>
      %get3A_217 = arith.index_cast %scan3A_76 : i32 to index
      %get3A_218 = arith.constant 256 : index
      %get3A_219 = tpu.vector_load %arg6[%get3A_217, %get3A_218] {strides = array<i32>} : memref<16x1024xf32, #tpu.memory_space<vmem>>, vector<16xf32>,
      %mul3A_220 = arith.mulf %get3A_219, %broadcast_in_dim3A_216 : vector<16xf32>
      %swap3A_221 = arith.index_cast %scan3A_76 : i32 to index
      %swap3A_222 = arith.constant 256 : index
      %swap3A_223 = tpu.vector_load %arg7[%swap3A_221, %swap3A_222] {strides = array<i32>} : memref<16x1024xf32, #tpu.memory_space<vmem>>, vector<16xf32>,
      tpu.vector_store %arg7[%swap3A_221, %swap3A_222], %mul3A_220 {strides = array<i32>} : memref<16x1024xf32, #tpu.memory_space<vmem>>, vector<16xf32>,
      %get3A_224 = arith.index_cast %scan3A_76 : i32 to index
      %get3A_225 = arith.constant 272 : index
      %get3A_226 = tpu.vector_load %arg6[%get3A_224, %get3A_225] {strides = array<i32>} : memref<16x1024xf32, #tpu.memory_space<vmem>>, vector<16xf32>,
      %mul3A_227 = arith.mulf %get3A_226, %broadcast_in_dim3A_216 : vector<16xf32>
      %swap3A_228 = arith.index_cast %scan3A_76 : i32 to index
      %swap3A_229 = arith.constant 272 : index
      %swap3A_230 = tpu.vector_load %arg7[%swap3A_228, %swap3A_229] {strides = array<i32>} : memref<16x1024xf32, #tpu.memory_space<vmem>>, vector<16xf32>,
      tpu.vector_store %arg7[%swap3A_228, %swap3A_229], %mul3A_227 {strides = array<i32>} : memref<16x1024xf32, #tpu.memory_space<vmem>>, vector<16xf32>,
      %slice3A_231 = vector.extract_strided_slice %get3A_78 {offsets = [9], sizes = [1], strides = [1]} : vector<16xf32> to vector<1xf32>
      %squeeze3A_232 = vector.extract %slice3A_231[0] : f32 from vector<1xf32>
      %broadcast_in_dim3A_233 = vector.broadcast %squeeze3A_232 : f32 to vector<16xf32>
      %get3A_234 = arith.index_cast %scan3A_76 : i32 to index
      %get3A_235 = arith.constant 288 : index
      %get3A_236 = tpu.vector_load %arg6[%get3A_234, %get3A_235] {strides = array<i32>} : memref<16x1024xf32, #tpu.memory_space<vmem>>, vector<16xf32>,
      %mul3A_237 = arith.mulf %get3A_236, %broadcast_in_dim3A_233 : vector<16xf32>
      %swap3A_238 = arith.index_cast %scan3A_76 : i32 to index
      %swap3A_239 = arith.constant 288 : index
      %swap3A_240 = tpu.vector_load %arg7[%swap3A_238, %swap3A_239] {strides = array<i32>} : memref<16x1024xf32, #tpu.memory_space<vmem>>, vector<16xf32>,
      tpu.vector_store %arg7[%swap3A_238, %swap3A_239], %mul3A_237 {strides = array<i32>} : memref<16x1024xf32, #tpu.memory_space<vmem>>, vector<16xf32>,
      %get3A_241 = arith.index_cast %scan3A_76 : i32 to index
      %get3A_242 = arith.constant 304 : index
      %get3A_243 = tpu.vector_load %arg6[%get3A_241, %get3A_242] {strides = array<i32>} : memref<16x1024xf32, #tpu.memory_space<vmem>>, vector<16xf32>,
      %mul3A_244 = arith.mulf %get3A_243, %broadcast_in_dim3A_233 : vector<16xf32>
      %swap3A_245 = arith.index_cast %scan3A_76 : i32 to index
      %swap3A_246 = arith.constant 304 : index
      %swap3A_247 = tpu.vector_load %arg7[%swap3A_245, %swap3A_246] {strides = array<i32>} : memref<16x1024xf32, #tpu.memory_space<vmem>>, vector<16xf32>,
      tpu.vector_store %arg7[%swap3A_245, %swap3A_246], %mul3A_244 {strides = array<i32>} : memref<16x1024xf32, #tpu.memory_space<vmem>>, vector<16xf32>,
      %slice3A_248 = vector.extract_strided_slice %get3A_78 {offsets = [10], sizes = [1], strides = [1]} : vector<16xf32> to vector<1xf32>
      %squeeze3A_249 = vector.extract %slice3A_248[0] : f32 from vector<1xf32>
      %broadcast_in_dim3A_250 = vector.broadcast %squeeze3A_249 : f32 to vector<16xf32>
      %get3A_251 = arith.index_cast %scan3A_76 : i32 to index
      %get3A_252 = arith.constant 320 : index
      %get3A_253 = tpu.vector_load %arg6[%get3A_251, %get3A_252] {strides = array<i32>} : memref<16x1024xf32, #tpu.memory_space<vmem>>, vector<16xf32>,
      %mul3A_254 = arith.mulf %get3A_253, %broadcast_in_dim3A_250 : vector<16xf32>
      %swap3A_255 = arith.index_cast %scan3A_76 : i32 to index
      %swap3A_256 = arith.constant 320 : index
      %swap3A_257 = tpu.vector_load %arg7[%swap3A_255, %swap3A_256] {strides = array<i32>} : memref<16x1024xf32, #tpu.memory_space<vmem>>, vector<16xf32>,
      tpu.vector_store %arg7[%swap3A_255, %swap3A_256], %mul3A_254 {strides = array<i32>} : memref<16x1024xf32, #tpu.memory_space<vmem>>, vector<16xf32>,
      %get3A_258 = arith.index_cast %scan3A_76 : i32 to index
      %get3A_259 = arith.constant 336 : index
      %get3A_260 = tpu.vector_load %arg6[%get3A_258, %get3A_259] {strides = array<i32>} : memref<16x1024xf32, #tpu.memory_space<vmem>>, vector<16xf32>,
      %mul3A_261 = arith.mulf %get3A_260, %broadcast_in_dim3A_250 : vector<16xf32>
      %swap3A_262 = arith.index_cast %scan3A_76 : i32 to index
      %swap3A_263 = arith.constant 336 : index
      %swap3A_264 = tpu.vector_load %arg7[%swap3A_262, %swap3A_263] {strides = array<i32>} : memref<16x1024xf32, #tpu.memory_space<vmem>>, vector<16xf32>,
      tpu.vector_store %arg7[%swap3A_262, %swap3A_263], %mul3A_261 {strides = array<i32>} : memref<16x1024xf32, #tpu.memory_space<vmem>>, vector<16xf32>,
      %slice3A_265 = vector.extract_strided_slice %get3A_78 {offsets = [11], sizes = [1], strides = [1]} : vector<16xf32> to vector<1xf32>
      %squeeze3A_266 = vector.extract %slice3A_265[0] : f32 from vector<1xf32>
      %broadcast_in_dim3A_267 = vector.broadcast %squeeze3A_266 : f32 to vector<16xf32>
      %get3A_268 = arith.index_cast %scan3A_76 : i32 to index
      %get3A_269 = arith.constant 352 : index
      %get3A_270 = tpu.vector_load %arg6[%get3A_268, %get3A_269] {strides = array<i32>} : memref<16x1024xf32, #tpu.memory_space<vmem>>, vector<16xf32>,
      %mul3A_271 = arith.mulf %get3A_270, %broadcast_in_dim3A_267 : vector<16xf32>
      %swap3A_272 = arith.index_cast %scan3A_76 : i32 to index
      %swap3A_273 = arith.constant 352 : index
      %swap3A_274 = tpu.vector_load %arg7[%swap3A_272, %swap3A_273] {strides = array<i32>} : memref<16x1024xf32, #tpu.memory_space<vmem>>, vector<16xf32>,
      tpu.vector_store %arg7[%swap3A_272, %swap3A_273], %mul3A_271 {strides = array<i32>} : memref<16x1024xf32, #tpu.memory_space<vmem>>, vector<16xf32>,
      %get3A_275 = arith.index_cast %scan3A_76 : i32 to index
      %get3A_276 = arith.constant 368 : index
      %get3A_277 = tpu.vector_load %arg6[%get3A_275, %get3A_276] {strides = array<i32>} : memref<16x1024xf32, #tpu.memory_space<vmem>>, vector<16xf32>,
      %mul3A_278 = arith.mulf %get3A_277, %broadcast_in_dim3A_267 : vector<16xf32>
      %swap3A_279 = arith.index_cast %scan3A_76 : i32 to index
      %swap3A_280 = arith.constant 368 : index
      %swap3A_281 = tpu.vector_load %arg7[%swap3A_279, %swap3A_280] {strides = array<i32>} : memref<16x1024xf32, #tpu.memory_space<vmem>>, vector<16xf32>,
      tpu.vector_store %arg7[%swap3A_279, %swap3A_280], %mul3A_278 {strides = array<i32>} : memref<16x1024xf32, #tpu.memory_space<vmem>>, vector<16xf32>,
      %slice3A_282 = vector.extract_strided_slice %get3A_78 {offsets = [12], sizes = [1], strides = [1]} : vector<16xf32> to vector<1xf32>
      %squeeze3A_283 = vector.extract %slice3A_282[0] : f32 from vector<1xf32>
      %broadcast_in_dim3A_284 = vector.broadcast %squeeze3A_283 : f32 to vector<16xf32>
      %get3A_285 = arith.index_cast %scan3A_76 : i32 to index
      %get3A_286 = arith.constant 384 : index
      %get3A_287 = tpu.vector_load %arg6[%get3A_285, %get3A_286] {strides = array<i32>} : memref<16x1024xf32, #tpu.memory_space<vmem>>, vector<16xf32>,
      %mul3A_288 = arith.mulf %get3A_287, %broadcast_in_dim3A_284 : vector<16xf32>
      %swap3A_289 = arith.index_cast %scan3A_76 : i32 to index
      %swap3A_290 = arith.constant 384 : index
      %swap3A_291 = tpu.vector_load %arg7[%swap3A_289, %swap3A_290] {strides = array<i32>} : memref<16x1024xf32, #tpu.memory_space<vmem>>, vector<16xf32>,
      tpu.vector_store %arg7[%swap3A_289, %swap3A_290], %mul3A_288 {strides = array<i32>} : memref<16x1024xf32, #tpu.memory_space<vmem>>, vector<16xf32>,
      %get3A_292 = arith.index_cast %scan3A_76 : i32 to index
      %get3A_293 = arith.constant 400 : index
      %get3A_294 = tpu.vector_load %arg6[%get3A_292, %get3A_293] {strides = array<i32>} : memref<16x1024xf32, #tpu.memory_space<vmem>>, vector<16xf32>,
      %mul3A_295 = arith.mulf %get3A_294, %broadcast_in_dim3A_284 : vector<16xf32>
      %swap3A_296 = arith.index_cast %scan3A_76 : i32 to index
      %swap3A_297 = arith.constant 400 : index
      %swap3A_298 = tpu.vector_load %arg7[%swap3A_296, %swap3A_297] {strides = array<i32>} : memref<16x1024xf32, #tpu.memory_space<vmem>>, vector<16xf32>,
      tpu.vector_store %arg7[%swap3A_296, %swap3A_297], %mul3A_295 {strides = array<i32>} : memref<16x1024xf32, #tpu.memory_space<vmem>>, vector<16xf32>,
      %slice3A_299 = vector.extract_strided_slice %get3A_78 {offsets = [13], sizes = [1], strides = [1]} : vector<16xf32> to vector<1xf32>
      %squeeze3A_300 = vector.extract %slice3A_299[0] : f32 from vector<1xf32>
      %broadcast_in_dim3A_301 = vector.broadcast %squeeze3A_300 : f32 to vector<16xf32>
      %get3A_302 = arith.index_cast %scan3A_76 : i32 to index
      %get3A_303 = arith.constant 416 : index
      %get3A_304 = tpu.vector_load %arg6[%get3A_302, %get3A_303] {strides = array<i32>} : memref<16x1024xf32, #tpu.memory_space<vmem>>, vector<16xf32>,
      %mul3A_305 = arith.mulf %get3A_304, %broadcast_in_dim3A_301 : vector<16xf32>
      %swap3A_306 = arith.index_cast %scan3A_76 : i32 to index
      %swap3A_307 = arith.constant 416 : index
      %swap3A_308 = tpu.vector_load %arg7[%swap3A_306, %swap3A_307] {strides = array<i32>} : memref<16x1024xf32, #tpu.memory_space<vmem>>, vector<16xf32>,
      tpu.vector_store %arg7[%swap3A_306, %swap3A_307], %mul3A_305 {strides = array<i32>} : memref<16x1024xf32, #tpu.memory_space<vmem>>, vector<16xf32>,
      %get3A_309 = arith.index_cast %scan3A_76 : i32 to index
      %get3A_310 = arith.constant 432 : index
      %get3A_311 = tpu.vector_load %arg6[%get3A_309, %get3A_310] {strides = array<i32>} : memref<16x1024xf32, #tpu.memory_space<vmem>>, vector<16xf32>,
      %mul3A_312 = arith.mulf %get3A_311, %broadcast_in_dim3A_301 : vector<16xf32>
      %swap3A_313 = arith.index_cast %scan3A_76 : i32 to index
      %swap3A_314 = arith.constant 432 : index
      %swap3A_315 = tpu.vector_load %arg7[%swap3A_313, %swap3A_314] {strides = array<i32>} : memref<16x1024xf32, #tpu.memory_space<vmem>>, vector<16xf32>,
      tpu.vector_store %arg7[%swap3A_313, %swap3A_314], %mul3A_312 {strides = array<i32>} : memref<16x1024xf32, #tpu.memory_space<vmem>>, vector<16xf32>,
      %slice3A_316 = vector.extract_strided_slice %get3A_78 {offsets = [14], sizes = [1], strides = [1]} : vector<16xf32> to vector<1xf32>
      %squeeze3A_317 = vector.extract %slice3A_316[0] : f32 from vector<1xf32>
      %broadcast_in_dim3A_318 = vector.broadcast %squeeze3A_317 : f32 to vector<16xf32>
      %get3A_319 = arith.index_cast %scan3A_76 : i32 to index
      %get3A_320 = arith.constant 448 : index
      %get3A_321 = tpu.vector_load %arg6[%get3A_319, %get3A_320] {strides = array<i32>} : memref<16x1024xf32, #tpu.memory_space<vmem>>, vector<16xf32>,
      %mul3A_322 = arith.mulf %get3A_321, %broadcast_in_dim3A_318 : vector<16xf32>
      %swap3A_323 = arith.index_cast %scan3A_76 : i32 to index
      %swap3A_324 = arith.constant 448 : index
      %swap3A_325 = tpu.vector_load %arg7[%swap3A_323, %swap3A_324] {strides = array<i32>} : memref<16x1024xf32, #tpu.memory_space<vmem>>, vector<16xf32>,
      tpu.vector_store %arg7[%swap3A_323, %swap3A_324], %mul3A_322 {strides = array<i32>} : memref<16x1024xf32, #tpu.memory_space<vmem>>, vector<16xf32>,
      %get3A_326 = arith.index_cast %scan3A_76 : i32 to index
      %get3A_327 = arith.constant 464 : index
      %get3A_328 = tpu.vector_load %arg6[%get3A_326, %get3A_327] {strides = array<i32>} : memref<16x1024xf32, #tpu.memory_space<vmem>>, vector<16xf32>,
      %mul3A_329 = arith.mulf %get3A_328, %broadcast_in_dim3A_318 : vector<16xf32>
      %swap3A_330 = arith.index_cast %scan3A_76 : i32 to index
      %swap3A_331 = arith.constant 464 : index
      %swap3A_332 = tpu.vector_load %arg7[%swap3A_330, %swap3A_331] {strides = array<i32>} : memref<16x1024xf32, #tpu.memory_space<vmem>>, vector<16xf32>,
      tpu.vector_store %arg7[%swap3A_330, %swap3A_331], %mul3A_329 {strides = array<i32>} : memref<16x1024xf32, #tpu.memory_space<vmem>>, vector<16xf32>,
      %slice3A_333 = vector.extract_strided_slice %get3A_78 {offsets = [15], sizes = [1], strides = [1]} : vector<16xf32> to vector<1xf32>
      %squeeze3A_334 = vector.extract %slice3A_333[0] : f32 from vector<1xf32>
      %broadcast_in_dim3A_335 = vector.broadcast %squeeze3A_334 : f32 to vector<16xf32>
      %get3A_336 = arith.index_cast %scan3A_76 : i32 to index
      %get3A_337 = arith.constant 480 : index
      %get3A_338 = tpu.vector_load %arg6[%get3A_336, %get3A_337] {strides = array<i32>} : memref<16x1024xf32, #tpu.memory_space<vmem>>, vector<16xf32>,
      %mul3A_339 = arith.mulf %get3A_338, %broadcast_in_dim3A_335 : vector<16xf32>
      %swap3A_340 = arith.index_cast %scan3A_76 : i32 to index
      %swap3A_341 = arith.constant 480 : index
      %swap3A_342 = tpu.vector_load %arg7[%swap3A_340, %swap3A_341] {strides = array<i32>} : memref<16x1024xf32, #tpu.memory_space<vmem>>, vector<16xf32>,
      tpu.vector_store %arg7[%swap3A_340, %swap3A_341], %mul3A_339 {strides = array<i32>} : memref<16x1024xf32, #tpu.memory_space<vmem>>, vector<16xf32>,
      %get3A_343 = arith.index_cast %scan3A_76 : i32 to index
      %get3A_344 = arith.constant 496 : index
      %get3A_345 = tpu.vector_load %arg6[%get3A_343, %get3A_344] {strides = array<i32>} : memref<16x1024xf32, #tpu.memory_space<vmem>>, vector<16xf32>,
      %mul3A_346 = arith.mulf %get3A_345, %broadcast_in_dim3A_335 : vector<16xf32>
      %swap3A_347 = arith.index_cast %scan3A_76 : i32 to index
      %swap3A_348 = arith.constant 496 : index
      %swap3A_349 = tpu.vector_load %arg7[%swap3A_347, %swap3A_348] {strides = array<i32>} : memref<16x1024xf32, #tpu.memory_space<vmem>>, vector<16xf32>,
      tpu.vector_store %arg7[%swap3A_347, %swap3A_348], %mul3A_346 {strides = array<i32>} : memref<16x1024xf32, #tpu.memory_space<vmem>>, vector<16xf32>,
      %slice3A_350 = vector.extract_strided_slice %get3A_81 {offsets = [0], sizes = [1], strides = [1]} : vector<16xf32> to vector<1xf32>
      %squeeze3A_351 = vector.extract %slice3A_350[0] : f32 from vector<1xf32>
      %broadcast_in_dim3A_352 = vector.broadcast %squeeze3A_351 : f32 to vector<16xf32>
      %get3A_353 = arith.index_cast %scan3A_76 : i32 to index
      %get3A_354 = arith.constant 512 : index
      %get3A_355 = tpu.vector_load %arg6[%get3A_353, %get3A_354] {strides = array<i32>} : memref<16x1024xf32, #tpu.memory_space<vmem>>, vector<16xf32>,
      %mul3A_356 = arith.mulf %get3A_355, %broadcast_in_dim3A_352 : vector<16xf32>
      %swap3A_357 = arith.index_cast %scan3A_76 : i32 to index
      %swap3A_358 = arith.constant 512 : index
      %swap3A_359 = tpu.vector_load %arg7[%swap3A_357, %swap3A_358] {strides = array<i32>} : memref<16x1024xf32, #tpu.memory_space<vmem>>, vector<16xf32>,
      tpu.vector_store %arg7[%swap3A_357, %swap3A_358], %mul3A_356 {strides = array<i32>} : memref<16x1024xf32, #tpu.memory_space<vmem>>, vector<16xf32>,
      %get3A_360 = arith.index_cast %scan3A_76 : i32 to index
      %get3A_361 = arith.constant 528 : index
      %get3A_362 = tpu.vector_load %arg6[%get3A_360, %get3A_361] {strides = array<i32>} : memref<16x1024xf32, #tpu.memory_space<vmem>>, vector<16xf32>,
      %mul3A_363 = arith.mulf %get3A_362, %broadcast_in_dim3A_352 : vector<16xf32>
      %swap3A_364 = arith.index_cast %scan3A_76 : i32 to index
      %swap3A_365 = arith.constant 528 : index
      %swap3A_366 = tpu.vector_load %arg7[%swap3A_364, %swap3A_365] {strides = array<i32>} : memref<16x1024xf32, #tpu.memory_space<vmem>>, vector<16xf32>,
      tpu.vector_store %arg7[%swap3A_364, %swap3A_365], %mul3A_363 {strides = array<i32>} : memref<16x1024xf32, #tpu.memory_space<vmem>>, vector<16xf32>,
      %slice3A_367 = vector.extract_strided_slice %get3A_81 {offsets = [1], sizes = [1], strides = [1]} : vector<16xf32> to vector<1xf32>
      %squeeze3A_368 = vector.extract %slice3A_367[0] : f32 from vector<1xf32>
      %broadcast_in_dim3A_369 = vector.broadcast %squeeze3A_368 : f32 to vector<16xf32>
      %get3A_370 = arith.index_cast %scan3A_76 : i32 to index
      %get3A_371 = arith.constant 544 : index
      %get3A_372 = tpu.vector_load %arg6[%get3A_370, %get3A_371] {strides = array<i32>} : memref<16x1024xf32, #tpu.memory_space<vmem>>, vector<16xf32>,
      %mul3A_373 = arith.mulf %get3A_372, %broadcast_in_dim3A_369 : vector<16xf32>
      %swap3A_374 = arith.index_cast %scan3A_76 : i32 to index
      %swap3A_375 = arith.constant 544 : index
      %swap3A_376 = tpu.vector_load %arg7[%swap3A_374, %swap3A_375] {strides = array<i32>} : memref<16x1024xf32, #tpu.memory_space<vmem>>, vector<16xf32>,
      tpu.vector_store %arg7[%swap3A_374, %swap3A_375], %mul3A_373 {strides = array<i32>} : memref<16x1024xf32, #tpu.memory_space<vmem>>, vector<16xf32>,
      %get3A_377 = arith.index_cast %scan3A_76 : i32 to index
      %get3A_378 = arith.constant 560 : index
      %get3A_379 = tpu.vector_load %arg6[%get3A_377, %get3A_378] {strides = array<i32>} : memref<16x1024xf32, #tpu.memory_space<vmem>>, vector<16xf32>,
      %mul3A_380 = arith.mulf %get3A_379, %broadcast_in_dim3A_369 : vector<16xf32>
      %swap3A_381 = arith.index_cast %scan3A_76 : i32 to index
      %swap3A_382 = arith.constant 560 : index
      %swap3A_383 = tpu.vector_load %arg7[%swap3A_381, %swap3A_382] {strides = array<i32>} : memref<16x1024xf32, #tpu.memory_space<vmem>>, vector<16xf32>,
      tpu.vector_store %arg7[%swap3A_381, %swap3A_382], %mul3A_380 {strides = array<i32>} : memref<16x1024xf32, #tpu.memory_space<vmem>>, vector<16xf32>,
      %slice3A_384 = vector.extract_strided_slice %get3A_81 {offsets = [2], sizes = [1], strides = [1]} : vector<16xf32> to vector<1xf32>
      %squeeze3A_385 = vector.extract %slice3A_384[0] : f32 from vector<1xf32>
      %broadcast_in_dim3A_386 = vector.broadcast %squeeze3A_385 : f32 to vector<16xf32>
      %get3A_387 = arith.index_cast %scan3A_76 : i32 to index
      %get3A_388 = arith.constant 576 : index
      %get3A_389 = tpu.vector_load %arg6[%get3A_387, %get3A_388] {strides = array<i32>} : memref<16x1024xf32, #tpu.memory_space<vmem>>, vector<16xf32>,
      %mul3A_390 = arith.mulf %get3A_389, %broadcast_in_dim3A_386 : vector<16xf32>
      %swap3A_391 = arith.index_cast %scan3A_76 : i32 to index
      %swap3A_392 = arith.constant 576 : index
      %swap3A_393 = tpu.vector_load %arg7[%swap3A_391, %swap3A_392] {strides = array<i32>} : memref<16x1024xf32, #tpu.memory_space<vmem>>, vector<16xf32>,
      tpu.vector_store %arg7[%swap3A_391, %swap3A_392], %mul3A_390 {strides = array<i32>} : memref<16x1024xf32, #tpu.memory_space<vmem>>, vector<16xf32>,
      %get3A_394 = arith.index_cast %scan3A_76 : i32 to index
      %get3A_395 = arith.constant 592 : index
      %get3A_396 = tpu.vector_load %arg6[%get3A_394, %get3A_395] {strides = array<i32>} : memref<16x1024xf32, #tpu.memory_space<vmem>>, vector<16xf32>,
      %mul3A_397 = arith.mulf %get3A_396, %broadcast_in_dim3A_386 : vector<16xf32>
      %swap3A_398 = arith.index_cast %scan3A_76 : i32 to index
      %swap3A_399 = arith.constant 592 : index
      %swap3A_400 = tpu.vector_load %arg7[%swap3A_398, %swap3A_399] {strides = array<i32>} : memref<16x1024xf32, #tpu.memory_space<vmem>>, vector<16xf32>,
      tpu.vector_store %arg7[%swap3A_398, %swap3A_399], %mul3A_397 {strides = array<i32>} : memref<16x1024xf32, #tpu.memory_space<vmem>>, vector<16xf32>,
      %slice3A_401 = vector.extract_strided_slice %get3A_81 {offsets = [3], sizes = [1], strides = [1]} : vector<16xf32> to vector<1xf32>
      %squeeze3A_402 = vector.extract %slice3A_401[0] : f32 from vector<1xf32>
      %broadcast_in_dim3A_403 = vector.broadcast %squeeze3A_402 : f32 to vector<16xf32>
      %get3A_404 = arith.index_cast %scan3A_76 : i32 to index
      %get3A_405 = arith.constant 608 : index
      %get3A_406 = tpu.vector_load %arg6[%get3A_404, %get3A_405] {strides = array<i32>} : memref<16x1024xf32, #tpu.memory_space<vmem>>, vector<16xf32>,
      %mul3A_407 = arith.mulf %get3A_406, %broadcast_in_dim3A_403 : vector<16xf32>
      %swap3A_408 = arith.index_cast %scan3A_76 : i32 to index
      %swap3A_409 = arith.constant 608 : index
      %swap3A_410 = tpu.vector_load %arg7[%swap3A_408, %swap3A_409] {strides = array<i32>} : memref<16x1024xf32, #tpu.memory_space<vmem>>, vector<16xf32>,
      tpu.vector_store %arg7[%swap3A_408, %swap3A_409], %mul3A_407 {strides = array<i32>} : memref<16x1024xf32, #tpu.memory_space<vmem>>, vector<16xf32>,
      %get3A_411 = arith.index_cast %scan3A_76 : i32 to index
      %get3A_412 = arith.constant 624 : index
      %get3A_413 = tpu.vector_load %arg6[%get3A_411, %get3A_412] {strides = array<i32>} : memref<16x1024xf32, #tpu.memory_space<vmem>>, vector<16xf32>,
      %mul3A_414 = arith.mulf %get3A_413, %broadcast_in_dim3A_403 : vector<16xf32>
      %swap3A_415 = arith.index_cast %scan3A_76 : i32 to index
      %swap3A_416 = arith.constant 624 : index
      %swap3A_417 = tpu.vector_load %arg7[%swap3A_415, %swap3A_416] {strides = array<i32>} : memref<16x1024xf32, #tpu.memory_space<vmem>>, vector<16xf32>,
      tpu.vector_store %arg7[%swap3A_415, %swap3A_416], %mul3A_414 {strides = array<i32>} : memref<16x1024xf32, #tpu.memory_space<vmem>>, vector<16xf32>,
      %slice3A_418 = vector.extract_strided_slice %get3A_81 {offsets = [4], sizes = [1], strides = [1]} : vector<16xf32> to vector<1xf32>
      %squeeze3A_419 = vector.extract %slice3A_418[0] : f32 from vector<1xf32>
      %broadcast_in_dim3A_420 = vector.broadcast %squeeze3A_419 : f32 to vector<16xf32>
      %get3A_421 = arith.index_cast %scan3A_76 : i32 to index
      %get3A_422 = arith.constant 640 : index
      %get3A_423 = tpu.vector_load %arg6[%get3A_421, %get3A_422] {strides = array<i32>} : memref<16x1024xf32, #tpu.memory_space<vmem>>, vector<16xf32>,
      %mul3A_424 = arith.mulf %get3A_423, %broadcast_in_dim3A_420 : vector<16xf32>
      %swap3A_425 = arith.index_cast %scan3A_76 : i32 to index
      %swap3A_426 = arith.constant 640 : index
      %swap3A_427 = tpu.vector_load %arg7[%swap3A_425, %swap3A_426] {strides = array<i32>} : memref<16x1024xf32, #tpu.memory_space<vmem>>, vector<16xf32>,
      tpu.vector_store %arg7[%swap3A_425, %swap3A_426], %mul3A_424 {strides = array<i32>} : memref<16x1024xf32, #tpu.memory_space<vmem>>, vector<16xf32>,
      %get3A_428 = arith.index_cast %scan3A_76 : i32 to index
      %get3A_429 = arith.constant 656 : index
      %get3A_430 = tpu.vector_load %arg6[%get3A_428, %get3A_429] {strides = array<i32>} : memref<16x1024xf32, #tpu.memory_space<vmem>>, vector<16xf32>,
      %mul3A_431 = arith.mulf %get3A_430, %broadcast_in_dim3A_420 : vector<16xf32>
      %swap3A_432 = arith.index_cast %scan3A_76 : i32 to index
      %swap3A_433 = arith.constant 656 : index
      %swap3A_434 = tpu.vector_load %arg7[%swap3A_432, %swap3A_433] {strides = array<i32>} : memref<16x1024xf32, #tpu.memory_space<vmem>>, vector<16xf32>,
      tpu.vector_store %arg7[%swap3A_432, %swap3A_433], %mul3A_431 {strides = array<i32>} : memref<16x1024xf32, #tpu.memory_space<vmem>>, vector<16xf32>,
      %slice3A_435 = vector.extract_strided_slice %get3A_81 {offsets = [5], sizes = [1], strides = [1]} : vector<16xf32> to vector<1xf32>
      %squeeze3A_436 = vector.extract %slice3A_435[0] : f32 from vector<1xf32>
      %broadcast_in_dim3A_437 = vector.broadcast %squeeze3A_436 : f32 to vector<16xf32>
      %get3A_438 = arith.index_cast %scan3A_76 : i32 to index
      %get3A_439 = arith.constant 672 : index
      %get3A_440 = tpu.vector_load %arg6[%get3A_438, %get3A_439] {strides = array<i32>} : memref<16x1024xf32, #tpu.memory_space<vmem>>, vector<16xf32>,
      %mul3A_441 = arith.mulf %get3A_440, %broadcast_in_dim3A_437 : vector<16xf32>
      %swap3A_442 = arith.index_cast %scan3A_76 : i32 to index
      %swap3A_443 = arith.constant 672 : index
      %swap3A_444 = tpu.vector_load %arg7[%swap3A_442, %swap3A_443] {strides = array<i32>} : memref<16x1024xf32, #tpu.memory_space<vmem>>, vector<16xf32>,
      tpu.vector_store %arg7[%swap3A_442, %swap3A_443], %mul3A_441 {strides = array<i32>} : memref<16x1024xf32, #tpu.memory_space<vmem>>, vector<16xf32>,
      %get3A_445 = arith.index_cast %scan3A_76 : i32 to index
      %get3A_446 = arith.constant 688 : index
      %get3A_447 = tpu.vector_load %arg6[%get3A_445, %get3A_446] {strides = array<i32>} : memref<16x1024xf32, #tpu.memory_space<vmem>>, vector<16xf32>,
      %mul3A_448 = arith.mulf %get3A_447, %broadcast_in_dim3A_437 : vector<16xf32>
      %swap3A_449 = arith.index_cast %scan3A_76 : i32 to index
      %swap3A_450 = arith.constant 688 : index
      %swap3A_451 = tpu.vector_load %arg7[%swap3A_449, %swap3A_450] {strides = array<i32>} : memref<16x1024xf32, #tpu.memory_space<vmem>>, vector<16xf32>,
      tpu.vector_store %arg7[%swap3A_449, %swap3A_450], %mul3A_448 {strides = array<i32>} : memref<16x1024xf32, #tpu.memory_space<vmem>>, vector<16xf32>,
      %slice3A_452 = vector.extract_strided_slice %get3A_81 {offsets = [6], sizes = [1], strides = [1]} : vector<16xf32> to vector<1xf32>
      %squeeze3A_453 = vector.extract %slice3A_452[0] : f32 from vector<1xf32>
      %broadcast_in_dim3A_454 = vector.broadcast %squeeze3A_453 : f32 to vector<16xf32>
      %get3A_455 = arith.index_cast %scan3A_76 : i32 to index
      %get3A_456 = arith.constant 704 : index
      %get3A_457 = tpu.vector_load %arg6[%get3A_455, %get3A_456] {strides = array<i32>} : memref<16x1024xf32, #tpu.memory_space<vmem>>, vector<16xf32>,
      %mul3A_458 = arith.mulf %get3A_457, %broadcast_in_dim3A_454 : vector<16xf32>
      %swap3A_459 = arith.index_cast %scan3A_76 : i32 to index
      %swap3A_460 = arith.constant 704 : index
      %swap3A_461 = tpu.vector_load %arg7[%swap3A_459, %swap3A_460] {strides = array<i32>} : memref<16x1024xf32, #tpu.memory_space<vmem>>, vector<16xf32>,
      tpu.vector_store %arg7[%swap3A_459, %swap3A_460], %mul3A_458 {strides = array<i32>} : memref<16x1024xf32, #tpu.memory_space<vmem>>, vector<16xf32>,
      %get3A_462 = arith.index_cast %scan3A_76 : i32 to index
      %get3A_463 = arith.constant 720 : index
      %get3A_464 = tpu.vector_load %arg6[%get3A_462, %get3A_463] {strides = array<i32>} : memref<16x1024xf32, #tpu.memory_space<vmem>>, vector<16xf32>,
      %mul3A_465 = arith.mulf %get3A_464, %broadcast_in_dim3A_454 : vector<16xf32>
      %swap3A_466 = arith.index_cast %scan3A_76 : i32 to index
      %swap3A_467 = arith.constant 720 : index
      %swap3A_468 = tpu.vector_load %arg7[%swap3A_466, %swap3A_467] {strides = array<i32>} : memref<16x1024xf32, #tpu.memory_space<vmem>>, vector<16xf32>,
      tpu.vector_store %arg7[%swap3A_466, %swap3A_467], %mul3A_465 {strides = array<i32>} : memref<16x1024xf32, #tpu.memory_space<vmem>>, vector<16xf32>,
      %slice3A_469 = vector.extract_strided_slice %get3A_81 {offsets = [7], sizes = [1], strides = [1]} : vector<16xf32> to vector<1xf32>
      %squeeze3A_470 = vector.extract %slice3A_469[0] : f32 from vector<1xf32>
      %broadcast_in_dim3A_471 = vector.broadcast %squeeze3A_470 : f32 to vector<16xf32>
      %get3A_472 = arith.index_cast %scan3A_76 : i32 to index
      %get3A_473 = arith.constant 736 : index
      %get3A_474 = tpu.vector_load %arg6[%get3A_472, %get3A_473] {strides = array<i32>} : memref<16x1024xf32, #tpu.memory_space<vmem>>, vector<16xf32>,
      %mul3A_475 = arith.mulf %get3A_474, %broadcast_in_dim3A_471 : vector<16xf32>
      %swap3A_476 = arith.index_cast %scan3A_76 : i32 to index
      %swap3A_477 = arith.constant 736 : index
      %swap3A_478 = tpu.vector_load %arg7[%swap3A_476, %swap3A_477] {strides = array<i32>} : memref<16x1024xf32, #tpu.memory_space<vmem>>, vector<16xf32>,
      tpu.vector_store %arg7[%swap3A_476, %swap3A_477], %mul3A_475 {strides = array<i32>} : memref<16x1024xf32, #tpu.memory_space<vmem>>, vector<16xf32>,
      %get3A_479 = arith.index_cast %scan3A_76 : i32 to index
      %get3A_480 = arith.constant 752 : index
      %get3A_481 = tpu.vector_load %arg6[%get3A_479, %get3A_480] {strides = array<i32>} : memref<16x1024xf32, #tpu.memory_space<vmem>>, vector<16xf32>,
      %mul3A_482 = arith.mulf %get3A_481, %broadcast_in_dim3A_471 : vector<16xf32>
      %swap3A_483 = arith.index_cast %scan3A_76 : i32 to index
      %swap3A_484 = arith.constant 752 : index
      %swap3A_485 = tpu.vector_load %arg7[%swap3A_483, %swap3A_484] {strides = array<i32>} : memref<16x1024xf32, #tpu.memory_space<vmem>>, vector<16xf32>,
      tpu.vector_store %arg7[%swap3A_483, %swap3A_484], %mul3A_482 {strides = array<i32>} : memref<16x1024xf32, #tpu.memory_space<vmem>>, vector<16xf32>,
      %slice3A_486 = vector.extract_strided_slice %get3A_81 {offsets = [8], sizes = [1], strides = [1]} : vector<16xf32> to vector<1xf32>
      %squeeze3A_487 = vector.extract %slice3A_486[0] : f32 from vector<1xf32>
      %broadcast_in_dim3A_488 = vector.broadcast %squeeze3A_487 : f32 to vector<16xf32>
      %get3A_489 = arith.index_cast %scan3A_76 : i32 to index
      %get3A_490 = arith.constant 768 : index
      %get3A_491 = tpu.vector_load %arg6[%get3A_489, %get3A_490] {strides = array<i32>} : memref<16x1024xf32, #tpu.memory_space<vmem>>, vector<16xf32>,
      %mul3A_492 = arith.mulf %get3A_491, %broadcast_in_dim3A_488 : vector<16xf32>
      %swap3A_493 = arith.index_cast %scan3A_76 : i32 to index
      %swap3A_494 = arith.constant 768 : index
      %swap3A_495 = tpu.vector_load %arg7[%swap3A_493, %swap3A_494] {strides = array<i32>} : memref<16x1024xf32, #tpu.memory_space<vmem>>, vector<16xf32>,
      tpu.vector_store %arg7[%swap3A_493, %swap3A_494], %mul3A_492 {strides = array<i32>} : memref<16x1024xf32, #tpu.memory_space<vmem>>, vector<16xf32>,
      %get3A_496 = arith.index_cast %scan3A_76 : i32 to index
      %get3A_497 = arith.constant 784 : index
      %get3A_498 = tpu.vector_load %arg6[%get3A_496, %get3A_497] {strides = array<i32>} : memref<16x1024xf32, #tpu.memory_space<vmem>>, vector<16xf32>,
      %mul3A_499 = arith.mulf %get3A_498, %broadcast_in_dim3A_488 : vector<16xf32>
      %swap3A_500 = arith.index_cast %scan3A_76 : i32 to index
      %swap3A_501 = arith.constant 784 : index
      %swap3A_502 = tpu.vector_load %arg7[%swap3A_500, %swap3A_501] {strides = array<i32>} : memref<16x1024xf32, #tpu.memory_space<vmem>>, vector<16xf32>,
      tpu.vector_store %arg7[%swap3A_500, %swap3A_501], %mul3A_499 {strides = array<i32>} : memref<16x1024xf32, #tpu.memory_space<vmem>>, vector<16xf32>,
      %slice3A_503 = vector.extract_strided_slice %get3A_81 {offsets = [9], sizes = [1], strides = [1]} : vector<16xf32> to vector<1xf32>
      %squeeze3A_504 = vector.extract %slice3A_503[0] : f32 from vector<1xf32>
      %broadcast_in_dim3A_505 = vector.broadcast %squeeze3A_504 : f32 to vector<16xf32>
      %get3A_506 = arith.index_cast %scan3A_76 : i32 to index
      %get3A_507 = arith.constant 800 : index
      %get3A_508 = tpu.vector_load %arg6[%get3A_506, %get3A_507] {strides = array<i32>} : memref<16x1024xf32, #tpu.memory_space<vmem>>, vector<16xf32>,
      %mul3A_509 = arith.mulf %get3A_508, %broadcast_in_dim3A_505 : vector<16xf32>
      %swap3A_510 = arith.index_cast %scan3A_76 : i32 to index
      %swap3A_511 = arith.constant 800 : index
      %swap3A_512 = tpu.vector_load %arg7[%swap3A_510, %swap3A_511] {strides = array<i32>} : memref<16x1024xf32, #tpu.memory_space<vmem>>, vector<16xf32>,
      tpu.vector_store %arg7[%swap3A_510, %swap3A_511], %mul3A_509 {strides = array<i32>} : memref<16x1024xf32, #tpu.memory_space<vmem>>, vector<16xf32>,
      %get3A_513 = arith.index_cast %scan3A_76 : i32 to index
      %get3A_514 = arith.constant 816 : index
      %get3A_515 = tpu.vector_load %arg6[%get3A_513, %get3A_514] {strides = array<i32>} : memref<16x1024xf32, #tpu.memory_space<vmem>>, vector<16xf32>,
      %mul3A_516 = arith.mulf %get3A_515, %broadcast_in_dim3A_505 : vector<16xf32>
      %swap3A_517 = arith.index_cast %scan3A_76 : i32 to index
      %swap3A_518 = arith.constant 816 : index
      %swap3A_519 = tpu.vector_load %arg7[%swap3A_517, %swap3A_518] {strides = array<i32>} : memref<16x1024xf32, #tpu.memory_space<vmem>>, vector<16xf32>,
      tpu.vector_store %arg7[%swap3A_517, %swap3A_518], %mul3A_516 {strides = array<i32>} : memref<16x1024xf32, #tpu.memory_space<vmem>>, vector<16xf32>,
      %slice3A_520 = vector.extract_strided_slice %get3A_81 {offsets = [10], sizes = [1], strides = [1]} : vector<16xf32> to vector<1xf32>
      %squeeze3A_521 = vector.extract %slice3A_520[0] : f32 from vector<1xf32>
      %broadcast_in_dim3A_522 = vector.broadcast %squeeze3A_521 : f32 to vector<16xf32>
      %get3A_523 = arith.index_cast %scan3A_76 : i32 to index
      %get3A_524 = arith.constant 832 : index
      %get3A_525 = tpu.vector_load %arg6[%get3A_523, %get3A_524] {strides = array<i32>} : memref<16x1024xf32, #tpu.memory_space<vmem>>, vector<16xf32>,
      %mul3A_526 = arith.mulf %get3A_525, %broadcast_in_dim3A_522 : vector<16xf32>
      %swap3A_527 = arith.index_cast %scan3A_76 : i32 to index
      %swap3A_528 = arith.constant 832 : index
      %swap3A_529 = tpu.vector_load %arg7[%swap3A_527, %swap3A_528] {strides = array<i32>} : memref<16x1024xf32, #tpu.memory_space<vmem>>, vector<16xf32>,
      tpu.vector_store %arg7[%swap3A_527, %swap3A_528], %mul3A_526 {strides = array<i32>} : memref<16x1024xf32, #tpu.memory_space<vmem>>, vector<16xf32>,
      %get3A_530 = arith.index_cast %scan3A_76 : i32 to index
      %get3A_531 = arith.constant 848 : index
      %get3A_532 = tpu.vector_load %arg6[%get3A_530, %get3A_531] {strides = array<i32>} : memref<16x1024xf32, #tpu.memory_space<vmem>>, vector<16xf32>,
      %mul3A_533 = arith.mulf %get3A_532, %broadcast_in_dim3A_522 : vector<16xf32>
      %swap3A_534 = arith.index_cast %scan3A_76 : i32 to index
      %swap3A_535 = arith.constant 848 : index
      %swap3A_536 = tpu.vector_load %arg7[%swap3A_534, %swap3A_535] {strides = array<i32>} : memref<16x1024xf32, #tpu.memory_space<vmem>>, vector<16xf32>,
      tpu.vector_store %arg7[%swap3A_534, %swap3A_535], %mul3A_533 {strides = array<i32>} : memref<16x1024xf32, #tpu.memory_space<vmem>>, vector<16xf32>,
      %slice3A_537 = vector.extract_strided_slice %get3A_81 {offsets = [11], sizes = [1], strides = [1]} : vector<16xf32> to vector<1xf32>
      %squeeze3A_538 = vector.extract %slice3A_537[0] : f32 from vector<1xf32>
      %broadcast_in_dim3A_539 = vector.broadcast %squeeze3A_538 : f32 to vector<16xf32>
      %get3A_540 = arith.index_cast %scan3A_76 : i32 to index
      %get3A_541 = arith.constant 864 : index
      %get3A_542 = tpu.vector_load %arg6[%get3A_540, %get3A_541] {strides = array<i32>} : memref<16x1024xf32, #tpu.memory_space<vmem>>, vector<16xf32>,
      %mul3A_543 = arith.mulf %get3A_542, %broadcast_in_dim3A_539 : vector<16xf32>
      %swap3A_544 = arith.index_cast %scan3A_76 : i32 to index
      %swap3A_545 = arith.constant 864 : index
      %swap3A_546 = tpu.vector_load %arg7[%swap3A_544, %swap3A_545] {strides = array<i32>} : memref<16x1024xf32, #tpu.memory_space<vmem>>, vector<16xf32>,
      tpu.vector_store %arg7[%swap3A_544, %swap3A_545], %mul3A_543 {strides = array<i32>} : memref<16x1024xf32, #tpu.memory_space<vmem>>, vector<16xf32>,
      %get3A_547 = arith.index_cast %scan3A_76 : i32 to index
      %get3A_548 = arith.constant 880 : index
      %get3A_549 = tpu.vector_load %arg6[%get3A_547, %get3A_548] {strides = array<i32>} : memref<16x1024xf32, #tpu.memory_space<vmem>>, vector<16xf32>,
      %mul3A_550 = arith.mulf %get3A_549, %broadcast_in_dim3A_539 : vector<16xf32>
      %swap3A_551 = arith.index_cast %scan3A_76 : i32 to index
      %swap3A_552 = arith.constant 880 : index
      %swap3A_553 = tpu.vector_load %arg7[%swap3A_551, %swap3A_552] {strides = array<i32>} : memref<16x1024xf32, #tpu.memory_space<vmem>>, vector<16xf32>,
      tpu.vector_store %arg7[%swap3A_551, %swap3A_552], %mul3A_550 {strides = array<i32>} : memref<16x1024xf32, #tpu.memory_space<vmem>>, vector<16xf32>,
      %slice3A_554 = vector.extract_strided_slice %get3A_81 {offsets = [12], sizes = [1], strides = [1]} : vector<16xf32> to vector<1xf32>
      %squeeze3A_555 = vector.extract %slice3A_554[0] : f32 from vector<1xf32>
      %broadcast_in_dim3A_556 = vector.broadcast %squeeze3A_555 : f32 to vector<16xf32>
      %get3A_557 = arith.index_cast %scan3A_76 : i32 to index
      %get3A_558 = arith.constant 896 : index
      %get3A_559 = tpu.vector_load %arg6[%get3A_557, %get3A_558] {strides = array<i32>} : memref<16x1024xf32, #tpu.memory_space<vmem>>, vector<16xf32>,
      %mul3A_560 = arith.mulf %get3A_559, %broadcast_in_dim3A_556 : vector<16xf32>
      %swap3A_561 = arith.index_cast %scan3A_76 : i32 to index
      %swap3A_562 = arith.constant 896 : index
      %swap3A_563 = tpu.vector_load %arg7[%swap3A_561, %swap3A_562] {strides = array<i32>} : memref<16x1024xf32, #tpu.memory_space<vmem>>, vector<16xf32>,
      tpu.vector_store %arg7[%swap3A_561, %swap3A_562], %mul3A_560 {strides = array<i32>} : memref<16x1024xf32, #tpu.memory_space<vmem>>, vector<16xf32>,
      %get3A_564 = arith.index_cast %scan3A_76 : i32 to index
      %get3A_565 = arith.constant 912 : index
      %get3A_566 = tpu.vector_load %arg6[%get3A_564, %get3A_565] {strides = array<i32>} : memref<16x1024xf32, #tpu.memory_space<vmem>>, vector<16xf32>,
      %mul3A_567 = arith.mulf %get3A_566, %broadcast_in_dim3A_556 : vector<16xf32>
      %swap3A_568 = arith.index_cast %scan3A_76 : i32 to index
      %swap3A_569 = arith.constant 912 : index
      %swap3A_570 = tpu.vector_load %arg7[%swap3A_568, %swap3A_569] {strides = array<i32>} : memref<16x1024xf32, #tpu.memory_space<vmem>>, vector<16xf32>,
      tpu.vector_store %arg7[%swap3A_568, %swap3A_569], %mul3A_567 {strides = array<i32>} : memref<16x1024xf32, #tpu.memory_space<vmem>>, vector<16xf32>,
      %slice3A_571 = vector.extract_strided_slice %get3A_81 {offsets = [13], sizes = [1], strides = [1]} : vector<16xf32> to vector<1xf32>
      %squeeze3A_572 = vector.extract %slice3A_571[0] : f32 from vector<1xf32>
      %broadcast_in_dim3A_573 = vector.broadcast %squeeze3A_572 : f32 to vector<16xf32>
      %get3A_574 = arith.index_cast %scan3A_76 : i32 to index
      %get3A_575 = arith.constant 928 : index
      %get3A_576 = tpu.vector_load %arg6[%get3A_574, %get3A_575] {strides = array<i32>} : memref<16x1024xf32, #tpu.memory_space<vmem>>, vector<16xf32>,
      %mul3A_577 = arith.mulf %get3A_576, %broadcast_in_dim3A_573 : vector<16xf32>
      %swap3A_578 = arith.index_cast %scan3A_76 : i32 to index
      %swap3A_579 = arith.constant 928 : index
      %swap3A_580 = tpu.vector_load %arg7[%swap3A_578, %swap3A_579] {strides = array<i32>} : memref<16x1024xf32, #tpu.memory_space<vmem>>, vector<16xf32>,
      tpu.vector_store %arg7[%swap3A_578, %swap3A_579], %mul3A_577 {strides = array<i32>} : memref<16x1024xf32, #tpu.memory_space<vmem>>, vector<16xf32>,
      %get3A_581 = arith.index_cast %scan3A_76 : i32 to index
      %get3A_582 = arith.constant 944 : index
      %get3A_583 = tpu.vector_load %arg6[%get3A_581, %get3A_582] {strides = array<i32>} : memref<16x1024xf32, #tpu.memory_space<vmem>>, vector<16xf32>,
      %mul3A_584 = arith.mulf %get3A_583, %broadcast_in_dim3A_573 : vector<16xf32>
      %swap3A_585 = arith.index_cast %scan3A_76 : i32 to index
      %swap3A_586 = arith.constant 944 : index
      %swap3A_587 = tpu.vector_load %arg7[%swap3A_585, %swap3A_586] {strides = array<i32>} : memref<16x1024xf32, #tpu.memory_space<vmem>>, vector<16xf32>,
      tpu.vector_store %arg7[%swap3A_585, %swap3A_586], %mul3A_584 {strides = array<i32>} : memref<16x1024xf32, #tpu.memory_space<vmem>>, vector<16xf32>,
      %slice3A_588 = vector.extract_strided_slice %get3A_81 {offsets = [14], sizes = [1], strides = [1]} : vector<16xf32> to vector<1xf32>
      %squeeze3A_589 = vector.extract %slice3A_588[0] : f32 from vector<1xf32>
      %broadcast_in_dim3A_590 = vector.broadcast %squeeze3A_589 : f32 to vector<16xf32>
      %get3A_591 = arith.index_cast %scan3A_76 : i32 to index
      %get3A_592 = arith.constant 960 : index
      %get3A_593 = tpu.vector_load %arg6[%get3A_591, %get3A_592] {strides = array<i32>} : memref<16x1024xf32, #tpu.memory_space<vmem>>, vector<16xf32>,
      %mul3A_594 = arith.mulf %get3A_593, %broadcast_in_dim3A_590 : vector<16xf32>
      %swap3A_595 = arith.index_cast %scan3A_76 : i32 to index
      %swap3A_596 = arith.constant 960 : index
      %swap3A_597 = tpu.vector_load %arg7[%swap3A_595, %swap3A_596] {strides = array<i32>} : memref<16x1024xf32, #tpu.memory_space<vmem>>, vector<16xf32>,
      tpu.vector_store %arg7[%swap3A_595, %swap3A_596], %mul3A_594 {strides = array<i32>} : memref<16x1024xf32, #tpu.memory_space<vmem>>, vector<16xf32>,
      %get3A_598 = arith.index_cast %scan3A_76 : i32 to index
      %get3A_599 = arith.constant 976 : index
      %get3A_600 = tpu.vector_load %arg6[%get3A_598, %get3A_599] {strides = array<i32>} : memref<16x1024xf32, #tpu.memory_space<vmem>>, vector<16xf32>,
      %mul3A_601 = arith.mulf %get3A_600, %broadcast_in_dim3A_590 : vector<16xf32>
      %swap3A_602 = arith.index_cast %scan3A_76 : i32 to index
      %swap3A_603 = arith.constant 976 : index
      %swap3A_604 = tpu.vector_load %arg7[%swap3A_602, %swap3A_603] {strides = array<i32>} : memref<16x1024xf32, #tpu.memory_space<vmem>>, vector<16xf32>,
      tpu.vector_store %arg7[%swap3A_602, %swap3A_603], %mul3A_601 {strides = array<i32>} : memref<16x1024xf32, #tpu.memory_space<vmem>>, vector<16xf32>,
      %slice3A_605 = vector.extract_strided_slice %get3A_81 {offsets = [15], sizes = [1], strides = [1]} : vector<16xf32> to vector<1xf32>
      %squeeze3A_606 = vector.extract %slice3A_605[0] : f32 from vector<1xf32>
      %broadcast_in_dim3A_607 = vector.broadcast %squeeze3A_606 : f32 to vector<16xf32>
      %get3A_608 = arith.index_cast %scan3A_76 : i32 to index
      %get3A_609 = arith.constant 992 : index
      %get3A_610 = tpu.vector_load %arg6[%get3A_608, %get3A_609] {strides = array<i32>} : memref<16x1024xf32, #tpu.memory_space<vmem>>, vector<16xf32>,
      %mul3A_611 = arith.mulf %get3A_610, %broadcast_in_dim3A_607 : vector<16xf32>
      %swap3A_612 = arith.index_cast %scan3A_76 : i32 to index
      %swap3A_613 = arith.constant 992 : index
      %swap3A_614 = tpu.vector_load %arg7[%swap3A_612, %swap3A_613] {strides = array<i32>} : memref<16x1024xf32, #tpu.memory_space<vmem>>, vector<16xf32>,
      tpu.vector_store %arg7[%swap3A_612, %swap3A_613], %mul3A_611 {strides = array<i32>} : memref<16x1024xf32, #tpu.memory_space<vmem>>, vector<16xf32>,
      %get3A_615 = arith.index_cast %scan3A_76 : i32 to index
      %get3A_616 = arith.constant 1008 : index
      %get3A_617 = tpu.vector_load %arg6[%get3A_615, %get3A_616] {strides = array<i32>} : memref<16x1024xf32, #tpu.memory_space<vmem>>, vector<16xf32>,
      %mul3A_618 = arith.mulf %get3A_617, %broadcast_in_dim3A_607 : vector<16xf32>
      %swap3A_619 = arith.index_cast %scan3A_76 : i32 to index
      %swap3A_620 = arith.constant 1008 : index
      %swap3A_621 = tpu.vector_load %arg7[%swap3A_619, %swap3A_620] {strides = array<i32>} : memref<16x1024xf32, #tpu.memory_space<vmem>>, vector<16xf32>,
      tpu.vector_store %arg7[%swap3A_619, %swap3A_620], %mul3A_618 {strides = array<i32>} : memref<16x1024xf32, #tpu.memory_space<vmem>>, vector<16xf32>,
    }
    %scan3A_63 = arith.constant 8 : i32
    %dma_wait3A_64 = arith.constant 0 : i32
    %dma_wait3A_65 = arith.constant 0 : i32
    %dma_wait3A_66 = tpu.memref_slice %arg7[%dma_wait3A_64, %dma_wait3A_65] : memref<16x1024xf32, #tpu.memory_space<vmem>> -> memref<8x1024xf32, #tpu.memory_space<vmem>>
    %dma_wait3A_67 = arith.constant 0 : i32
    %dma_wait3A_68 = tpu.memref_slice %arg4[%mul3A_2, %dma_wait3A_67] : memref<512x1024xf32, #tpu.memory_space<hbm>> -> memref<8x1024xf32, #tpu.memory_space<hbm>>
    %dma_wait3A_69 = arith.constant 0 : i32
    %dma_wait3A_70 = tpu.memref_slice %arg4[%mul3A_2, %dma_wait3A_69] : memref<512x1024xf32, #tpu.memory_space<hbm>> -> memref<8x1024xf32, #tpu.memory_space<hbm>>
    %dma_wait3A_71 = arith.constant 0 : i32
    %dma_wait3A_72 = arith.constant 0 : i32
    %dma_wait3A_73 = tpu.memref_slice %arg7[%dma_wait3A_71, %dma_wait3A_72] : memref<16x1024xf32, #tpu.memory_space<vmem>> -> memref<8x1024xf32, #tpu.memory_space<vmem>>
    tpu.wait_dma2 semaphore(%arg10 : memref<!tpu.dma_semaphore, #tpu.memory_space<semaphore_mem>>) src(%dma_wait3A_73 : memref<8x1024xf32, #tpu.memory_space<vmem>>) dst(%dma_wait3A_70 : memref<8x1024xf32, #tpu.memory_space<hbm>>)
    %add3A_74 = arith.constant 8 : i32
    %add3A_75 = arith.addi %mul3A_2, %add3A_74 : i32
    "tpu.region"() ({
      %run_scoped3A = tpu.sem_alloc : memref<!tpu.dma_semaphore, #tpu.memory_space<semaphore_mem>>
      %dma_start3A_76 = arith.constant 8 : i32
      %dma_start3A_77 = arith.constant 0 : i32
      %dma_start3A_78 = tpu.memref_slice %arg7[%dma_start3A_76, %dma_start3A_77] : memref<16x1024xf32, #tpu.memory_space<vmem>> -> memref<8x1024xf32, #tpu.memory_space<vmem>>
      %dma_start3A_79 = arith.constant 0 : i32
      %dma_start3A_80 = tpu.memref_slice %arg4[%add3A_75, %dma_start3A_79] : memref<512x1024xf32, #tpu.memory_space<hbm>> -> memref<8x1024xf32, #tpu.memory_space<hbm>>
      %dma_start3A_81 = arith.constant 0 : i32
      %dma_start3A_82 = tpu.memref_slice %arg4[%add3A_75, %dma_start3A_81] : memref<512x1024xf32, #tpu.memory_space<hbm>> -> memref<8x1024xf32, #tpu.memory_space<hbm>>
      %dma_start3A_83 = arith.constant 8 : i32
      %dma_start3A_84 = arith.constant 0 : i32
      %dma_start3A_85 = tpu.memref_slice %arg7[%dma_start3A_83, %dma_start3A_84] : memref<16x1024xf32, #tpu.memory_space<vmem>> -> memref<8x1024xf32, #tpu.memory_space<vmem>>
      tpu.enqueue_dma source(%dma_start3A_85 : memref<8x1024xf32, #tpu.memory_space<vmem>>) target(%dma_start3A_82 : memref<8x1024xf32, #tpu.memory_space<hbm>>) target_semaphore(%run_scoped3A : memref<!tpu.dma_semaphore, #tpu.memory_space<semaphore_mem>>)
      %dma_wait3A_86 = arith.constant 8 : i32
      %dma_wait3A_87 = arith.constant 0 : i32
      %dma_wait3A_88 = tpu.memref_slice %arg7[%dma_wait3A_86, %dma_wait3A_87] : memref<16x1024xf32, #tpu.memory_space<vmem>> -> memref<8x1024xf32, #tpu.memory_space<vmem>>
      %dma_wait3A_89 = arith.constant 0 : i32
      %dma_wait3A_90 = tpu.memref_slice %arg4[%add3A_75, %dma_wait3A_89] : memref<512x1024xf32, #tpu.memory_space<hbm>> -> memref<8x1024xf32, #tpu.memory_space<hbm>>
      %dma_wait3A_91 = arith.constant 0 : i32
      %dma_wait3A_92 = tpu.memref_slice %arg4[%add3A_75, %dma_wait3A_91] : memref<512x1024xf32, #tpu.memory_space<hbm>> -> memref<8x1024xf32, #tpu.memory_space<hbm>>
      %dma_wait3A_93 = arith.constant 8 : i32
      %dma_wait3A_94 = arith.constant 0 : i32
      %dma_wait3A_95 = tpu.memref_slice %arg7[%dma_wait3A_93, %dma_wait3A_94] : memref<16x1024xf32, #tpu.memory_space<vmem>> -> memref<8x1024xf32, #tpu.memory_space<vmem>>
      tpu.wait_dma2 semaphore(%run_scoped3A : memref<!tpu.dma_semaphore, #tpu.memory_space<semaphore_mem>>) src(%dma_wait3A_95 : memref<8x1024xf32, #tpu.memory_space<vmem>>) dst(%dma_wait3A_92 : memref<8x1024xf32, #tpu.memory_space<hbm>>)
      tpu.yield
    }) : () -> ()
    return
  }
}

module attributes {stable_mosaic.version = 14 : i64} {
  func.func @_tc_body(%arg0: memref<512x256xf32, #tpu.memory_space<vmem>>, %arg1: memref<256x1024xf32, #tpu.memory_space<vmem>>, %arg2: memref<512x1024xf32, #tpu.memory_space<vmem>>, %arg3: memref<512x32xf32, #tpu.memory_space<vmem>>) attributes {dimension_semantics = [], scalar_prefetch = 0 : i64, scratch_operands = 0 : i64, tpu.core_type = #tpu.core_type<tc>} {
    %get3A = arith.constant 0 : index
    %get3A_0 = arith.constant 0 : index
    %get3A_1 = vector.load %arg0[%get3A, %get3A_0] : memref<512x256xf32, #tpu.memory_space<vmem>>, vector<512x256xf32>
    %get3A_2 = arith.constant 0 : index
    %get3A_3 = arith.constant 0 : index
    %get3A_4 = vector.load %arg1[%get3A_2, %get3A_3] : memref<256x1024xf32, #tpu.memory_space<vmem>>, vector<256x1024xf32>
    %dot_general3A = arith.constant dense<0.000000e+00> : vector<512x1024xf32>
    %dot_general3A_5 = tpu.matmul %get3A_1, %get3A_4, %dot_general3A {dimension_numbers = #tpu.dot_dimension_numbers<[1], [0], [0], [1], [0, 0, 1, 1], [], []>, precision = #tpu.contract_precision<fp32>, transpose_lhs_hint = false} : vector<512x256xf32>, vector<256x1024xf32>, vector<512x1024xf32> -> vector<512x1024xf32>
    %mul3A = arith.mulf %get3A_1, %get3A_1 : vector<512x256xf32>
    %reduce_sum3A = arith.constant dense<0.000000e+00> : vector<512xf32>
    %reduce_sum3A_6 = vector.multi_reduction <add>, %mul3A, %reduce_sum3A [1] : vector<512x256xf32> to vector<512xf32>
    %broadcast_in_dim3A = vector.shape_cast %reduce_sum3A_6 : vector<512xf32> to vector<512x1xf32>
    %mul3A_7 = arith.mulf %get3A_4, %get3A_4 : vector<256x1024xf32>
    %reduce_sum3A_8 = arith.constant dense<0.000000e+00> : vector<1024xf32>
    %reduce_sum3A_9 = vector.multi_reduction <add>, %mul3A_7, %reduce_sum3A_8 [0] : vector<256x1024xf32> to vector<1024xf32>
    %broadcast_in_dim3A_10 = vector.shape_cast %reduce_sum3A_9 : vector<1024xf32> to vector<1x1024xf32>
    %add3A = vector.broadcast %broadcast_in_dim3A : vector<512x1xf32> to vector<512x1024xf32>
    %add3A_11 = vector.broadcast %broadcast_in_dim3A_10 : vector<1x1024xf32> to vector<512x1024xf32>
    %add3A_12 = arith.addf %add3A, %add3A_11 : vector<512x1024xf32>
    %mul3A_13 = arith.constant 2.000000e+00 : f32
    %mul3A_14 = vector.broadcast %mul3A_13 : f32 to vector<512x1024xf32>
    %mul3A_15 = arith.mulf %mul3A_14, %dot_general3A_5 : vector<512x1024xf32>
    %sub3A = arith.subf %add3A_12, %mul3A_15 : vector<512x1024xf32>
    %iota3A = tpu.iota {dimensions = array<i32: 1>} : vector<512x1024xi32>
    %reduce_min3A = arith.constant dense<0x7F800000> : vector<512xf32>
    %reduce_min3A_16 = vector.multi_reduction <minimumf>, %sub3A, %reduce_min3A [1] : vector<512x1024xf32> to vector<512xf32>
    %broadcast_in_dim3A_17 = vector.shape_cast %reduce_min3A_16 : vector<512xf32> to vector<512x1xf32>
    %le3A = vector.broadcast %broadcast_in_dim3A_17 : vector<512x1xf32> to vector<512x1024xf32>
    %le3A_18 = arith.cmpf ole, %sub3A, %le3A : vector<512x1024xf32>
    %jit3A = arith.constant 1024 : i32
    %broadcast_in_dim3A_19 = vector.broadcast %jit3A : i32 to vector<512x1024xi32>
    %select_n3A = arith.select %le3A_18, %iota3A, %broadcast_in_dim3A_19 : vector<512x1024xi1>, vector<512x1024xi32>
    %reduce_min3A_20 = arith.constant dense<2147483647> : vector<512xi32>
    %reduce_min3A_21 = vector.multi_reduction <minsi>, %select_n3A, %reduce_min3A_20 [1] : vector<512x1024xi32> to vector<512xi32>
    %broadcast_in_dim3A_22 = vector.shape_cast %reduce_min3A_21 : vector<512xi32> to vector<512x1xi32>
    %shift_right_arithmetic3A = arith.constant 5 : i32
    %shift_right_arithmetic3A_23 = vector.broadcast %shift_right_arithmetic3A : i32 to vector<512x1xi32>
    %shift_right_arithmetic3A_24 = arith.shrsi %broadcast_in_dim3A_22, %shift_right_arithmetic3A_23 : vector<512x1xi32>
    %convert_element_type3A = arith.sitofp %shift_right_arithmetic3A_24 : vector<512x1xi32> to vector<512x1xf32>
    %and3A = arith.constant 31 : i32
    %and3A_25 = vector.broadcast %and3A : i32 to vector<512x1xi32>
    %and3A_26 = arith.andi %broadcast_in_dim3A_22, %and3A_25 : vector<512x1xi32>
    %convert_element_type3A_27 = arith.sitofp %and3A_26 : vector<512x1xi32> to vector<512x1xf32>
    %and3A_28 = arith.constant 31 : i32
    %and3A_29 = vector.broadcast %and3A_28 : i32 to vector<512x1024xi32>
    %and3A_30 = arith.andi %iota3A, %and3A_29 : vector<512x1024xi32>
    %convert_element_type3A_31 = arith.sitofp %and3A_30 : vector<512x1024xi32> to vector<512x1024xf32>
    %sub3A_32 = vector.broadcast %convert_element_type3A_27 : vector<512x1xf32> to vector<512x1024xf32>
    %sub3A_33 = arith.subf %convert_element_type3A_31, %sub3A_32 : vector<512x1024xf32>
    %mul3A_34 = arith.mulf %sub3A_33, %sub3A_33 : vector<512x1024xf32>
    %mul3A_35 = arith.constant -1.250000e-01 : f32
    %mul3A_36 = vector.broadcast %mul3A_35 : f32 to vector<512x1024xf32>
    %mul3A_37 = arith.mulf %mul3A_36, %mul3A_34 : vector<512x1024xf32>
    %exp3A = math.exp %mul3A_37 : vector<512x1024xf32>
    %mul3A_38 = arith.constant 0.199471146 : f32
    %mul3A_39 = vector.broadcast %mul3A_38 : f32 to vector<512x1024xf32>
    %mul3A_40 = arith.mulf %exp3A, %mul3A_39 : vector<512x1024xf32>
    %mul3A_41 = arith.mulf %sub3A, %mul3A_40 : vector<512x1024xf32>
    %swap3A = arith.constant 0 : index
    %swap3A_42 = arith.constant 0 : index
    %swap3A_43 = vector.load %arg2[%swap3A, %swap3A_42] : memref<512x1024xf32, #tpu.memory_space<vmem>>, vector<512x1024xf32>
    tpu.vector_store %arg2[%swap3A, %swap3A_42], %mul3A_41 {strides = array<i32>} : memref<512x1024xf32, #tpu.memory_space<vmem>>, vector<512x1024xf32>,
    %iota3A_44 = tpu.iota {dimensions = array<i32: 1>} : vector<512x32xi32>
    %convert_element_type3A_45 = arith.sitofp %iota3A_44 : vector<512x32xi32> to vector<512x32xf32>
    %sub3A_46 = vector.broadcast %convert_element_type3A : vector<512x1xf32> to vector<512x32xf32>
    %sub3A_47 = arith.subf %convert_element_type3A_45, %sub3A_46 : vector<512x32xf32>
    %mul3A_48 = arith.mulf %sub3A_47, %sub3A_47 : vector<512x32xf32>
    %mul3A_49 = arith.constant -1.250000e-01 : f32
    %mul3A_50 = vector.broadcast %mul3A_49 : f32 to vector<512x32xf32>
    %mul3A_51 = arith.mulf %mul3A_50, %mul3A_48 : vector<512x32xf32>
    %exp3A_52 = math.exp %mul3A_51 : vector<512x32xf32>
    %swap3A_53 = arith.constant 0 : index
    %swap3A_54 = arith.constant 0 : index
    %swap3A_55 = vector.load %arg3[%swap3A_53, %swap3A_54] : memref<512x32xf32, #tpu.memory_space<vmem>>, vector<512x32xf32>
    tpu.vector_store %arg3[%swap3A_53, %swap3A_54], %exp3A_52 {strides = array<i32>} : memref<512x32xf32, #tpu.memory_space<vmem>>, vector<512x32xf32>,
    return
  }
}

</mosaic_0001>

<sc_bundles>
// kernel: kernel.5.cloned.1.call-start
scs
__scs_entry_jumppad:
0x0: {  	(pc) =	sbr.rel $0x88, $3  }
0x1: {  	(tag) =	ssettag $0x0;
	lr =	simm.s32 $0x1  }
0x2: {  	[smem:$0x3F9F] =	sst lr;
	_ =	strace $0xD0000000  }
0x3: {  	_ = 	snop  }
0x4: {  	_ = 	snop  }
0x5: {  	_ = 	snop  }
0x6: {  	_ = 	snop  }
0x7: {  	_ = 	snop  }
__scs_overlays_trampoline_lowered:
0x8: {  	[smem:$0x3FAE] =	sst s0  }
0x9: {  	[smem:$0x3FAF] =	sst s1  }
0xa: {  	[smem:$0x3FB0] =	sst s2  }
0xb: {  	[smem:$0x3FB1] =	sst s3  }
0xc: {  	[smem:$0x3FB2] =	sst s4  }
0xd: {  	[smem:$0x3FB3] =	sst s5  }
0xe: {  	[smem:$0x3FB4] =	sst s6  }
0xf: {  	[smem:$0x3FB5] =	sst s7  }
0x10: {  	[smem:$0x3FB6] =	sst s8  }
0x11: {  	[smem:$0x3FB7] =	sst s9;
	s0 =	simm.s32 @!p0 $0x0  }
0x12: {  	s1 =	sld [smem:$0x3F9D];
	s0 =	simm.s32 @p0 $0x1  }
0x13: {  	[smem:$0x3FB8] =	sst s0;
	s0 =	simm.s32 @!p1 $0x0  }
0x14: {  	s2 =	sld [smem:$0x3F9C];
	s0 =	simm.s32 @p1 $0x1  }
0x15: {  	[smem:$0x3FB9] =	sst s0;
	s0 =	simm.s32 @!p2 $0x0  }
0x16: {  	s3 =	sld [smem:$0x3FDB];
	s0 =	simm.s32 @p2 $0x1  }
0x17: {  	s4 =	simm.s32 $0x1BF5;
	[smem:$0x3FBB] =	sst s0  }
0x18: {  	s0 =	sld [smem:$0x3F9E];
	_ =	swait.ge [sflag:s4], $0x0  }
0x19: {  	s7 =	sld [smem:$0x3F9F]  }
0x1a: {  	s8 =	sadd.s32 $0xFFFFE003, lr  }
0x1b: {  	s9 =	sadd.s32 $0xFFFFFEF7, lr;
	s5 =	simm.s32 $0xFFFFFFFF;
	p2 =	slt.u32 s8, $0xFFFFF086  }
0x1c: {  	p1 =	slt.u32 s9, $0xF7A;
	s5 =	simm.s32 @!p2 $0x0  }
0x1d: {  	s5 =	simm.s32 @p1 $0x1;
	p0 =	seq.s32 s7, s2  }
0x1e: {  	s7 =	smul.u32 @!p0 $0xF7A, s2;
	p2 =	seq.s32 @!p0 s5, $0x0  }
0x1f: {  	s9 =	smul.u32 $0xF7A, s1;
	s8 =	simm.s32 @!p0 $0x1BF5;
	p2 =	por !p2, p0  }
0x20: {  	[sflag:s8] =	ssyncset.s32 @!p0 $0xFFFFF086;
	s6 =	sadd.s32 @!p0 s3, s7;
	s7 =	simm.s32 @!p0 $0x108  }
0x21: {  	s3 =	sadd.s32 s3, s9;
	s6 =	sadd.s32 @!p0 $0x88, s6;
	s7 =	simm.s32 @p2 $0x1082  }
0x22: {  	[simem:s7], [sflag:s8] =	dma.local @!p0 [hbm:s6], $0xF7A  }
0x23: {  	s9 =	sor.u32 $0xD0000000, s2;
	s6 =	simm.s32 $0x108;
	_ =	swait.ge @!p0 [sflag:s8], $0x0  }
0x24: {  	s3 =	sadd.s32 $0x88, s3;
	s6 =	simm.s32 @!p1 $0x1082;
	[sflag:s4] =	ssyncset.s32 $0xFFFFF086  }
0x25: {  	[simem:s6], [sflag:s4] =	dma.local [hbm:s3], $0xF7A  }
0x26: {  	[smem:$0x3F9F] =	sst s1;
	(tag) =	ssettag s2;
	_ =	strace s9  }
0x27: {  	s1 =	sld [smem:$0x3FAF]  }
0x28: {  	s2 =	sld [smem:$0x3FB0]  }
0x29: {  	s4 =	sld [smem:$0x3FB2]  }
0x2a: {  	p0 =	seq.s32 s5, $0x0;
	s5 =	sld [smem:$0x3FB3]  }
0x2b: {  	s6 =	sld [smem:$0x3FB4]  }
0x2c: {  	s7 =	sld [smem:$0x3FB5]  }
0x2d: {  	s3 =	simm.s32 $0x108;
	s8 =	sld [smem:$0x3FB6]  }
0x2e: {  	s3 =	simm.s32 @!p0 $0x1082;
	s9 =	sld [smem:$0x3FB7]  }
0x2f: {  	lr =	sadd.s32 s0, s3;
	s0 =	sld [smem:$0x3FAE]  }
0x30: {  	s3 =	sld [smem:$0x3FB1]  }
0x31: {  	[smem:$0x3FBA] =	sst s10  }
0x32: {  	s10 =	sld [smem:$0x3FB8];
	_ =	sdelay $0x3  }
0x33: {  	p0 =	seq.s32 s10, $0x1;
	s10 =	sld [smem:$0x3FBA];
	_ =	sdelay $0x3  }
0x34: {  	[smem:$0x3FBA] =	sst s10  }
0x35: {  	s10 =	sld [smem:$0x3FB9];
	_ =	sdelay $0x3  }
0x36: {  	p1 =	seq.s32 s10, $0x1;
	s10 =	sld [smem:$0x3FBA];
	_ =	sdelay $0x3  }
0x37: {  	[smem:$0x3FBA] =	sst s10  }
0x38: {  	s10 =	sld [smem:$0x3FBB]  }
0x39: {  	_ = 	snop;
	(pc) =	sbr.ind lr, $3  }
0x3a: {  	_ = 	snop  }
0x3b: {  	_ = 	snop  }
0x3c: {  	p2 =	seq.s32 s10, $0x1;
	s10 =	sld [smem:$0x3FBA]  }
0x3d: {  	_ =	shalt  }
0x3e: {  	_ =	shalt  }
0x3f: {  	_ =	shalt  }
0x40: {  	_ =	shalt  }
0x41: {  	_ =	shalt  }
0x42: {  	_ =	shalt  }
0x43: {  	_ =	shalt  }
0x44: {  	_ =	shalt  }
0x45: {  	_ =	shalt  }
0x46: {  	_ =	shalt  }
0x47: {  	_ =	shalt  }
0x48: {  	_ =	shalt  }
0x49: {  	_ =	shalt  }
0x4a: {  	_ =	shalt  }
0x4b: {  	_ =	shalt  }
0x4c: {  	_ =	shalt  }
0x4d: {  	_ =	shalt  }
0x4e: {  	_ =	shalt  }
0x4f: {  	_ =	shalt  }
0x50: {  	_ =	shalt  }
0x51: {  	_ =	shalt  }
0x52: {  	_ =	shalt  }
0x53: {  	_ =	shalt  }
0x54: {  	_ =	shalt  }
0x55: {  	_ =	shalt  }
0x56: {  	_ =	shalt  }
0x57: {  	_ =	shalt  }
0x58: {  	_ =	shalt  }
0x59: {  	_ =	shalt  }
0x5a: {  	_ =	shalt  }
0x5b: {  	_ =	shalt  }
0x5c: {  	_ =	shalt  }
0x5d: {  	_ =	shalt  }
0x5e: {  	_ =	shalt  }
0x5f: {  	_ =	shalt  }
0x60: {  	_ =	shalt  }
0x61: {  	_ =	shalt  }
0x62: {  	_ =	shalt  }
0x63: {  	_ =	shalt  }
0x64: {  	_ =	shalt  }
0x65: {  	_ =	shalt  }
0x66: {  	_ =	shalt  }
0x67: {  	_ =	shalt  }
0x68: {  	_ =	shalt  }
0x69: {  	_ =	shalt  }
0x6a: {  	_ =	shalt  }
0x6b: {  	_ =	shalt  }
0x6c: {  	_ =	shalt  }
0x6d: {  	_ =	shalt  }
0x6e: {  	_ =	shalt  }
0x6f: {  	_ =	shalt  }
0x70: {  	_ =	shalt  }
0x71: {  	_ =	shalt  }
0x72: {  	_ =	shalt  }
0x73: {  	_ =	shalt  }
0x74: {  	_ =	shalt  }
0x75: {  	_ =	shalt  }
0x76: {  	_ =	shalt  }
0x77: {  	_ =	shalt  }
0x78: {  	_ =	shalt  }
0x79: {  	_ =	shalt  }
0x7a: {  	_ =	shalt  }
0x7b: {  	_ =	shalt  }
0x7c: {  	_ =	shalt  }
0x7d: {  	_ =	shalt  }
0x7e: {  	_ =	shalt  }
0x7f: {  	_ =	shalt  }
0x80: {  	_ =	shalt  }
0x81: {  	_ =	shalt  }
0x82: {  	_ =	shalt  }
0x83: {  	_ =	shalt  }
0x84: {  	_ =	shalt  }
0x85: {  	_ =	shalt  }
0x86: {  	_ =	shalt  }
0x87: {  	_ =	shalt  }
.Lfunc_end0:
.L_simem_size_0:
called_computation_lowered:
.L_overlay_start_0:
0x88: {  	s2 =	sld [smem:$0x3FD9]  }
0x89: {  	s3 =	sld [smem:$0x3FFE];
	_ =	sdelay $0x1  }
0x8a: {  	s1 =	srdreg.scid  }
0x8b: {  	s0 =	sand.u32 $0x1, s1  }
0x8c: {  	s17 =	sshll.u32 s0, $0xA;
	s2 =	sadd.s32 s3, s2  }
0x8d: {  	s2 =	sadd.s32 s2, s17  }
0x8e: {  	[smem:$0x3FC6] =	sst s2  }
0x8f: {  	_ = 	snop  }
0x90: {  	s2 =	sld [smem:$0x3FD0];
	(tm) =	ssettm $0x1  }
0x91: {  	s18 =	sld [smem:$0x3FFB];
	_ =	sdelay $0x3  }
0x92: {  	_ =	strace s18  }
0x93: {  	s3 =	sld [smem:$0x3FFC];
	_ =	sdelay $0x3  }
0x94: {  	_ =	strace s3  }
0x95: {  	s3 =	sld [smem:$0x3FFD];
	_ =	sdelay $0x3  }
0x96: {  	_ =	strace s3  }
0x97: {  	_ =	strace $0x8FFFFFFF  }
0x98: {  	s19 =	sld [smem:$0x3FDB];
	_ =	sdelay $0x1  }
0x99: {  	s4 =	simm.s32 $_scs_section_size  }
0x9a: {  	s5 =	simm.s32 $_size__tile_overlayer_lowered;
	s6 =	simm.s32 $_tile_overlayer_lowered  }
0x9b: {  	s22 =	simm.s32 $0x1BFF;
	s21 =	sshll.u32 s6, $0x1;
	s3 =	sadd.s32 s4, s19  }
0x9c: {  	s7 =	simm.s32 $0x0;
	s20 =	sshll.u32 s5, $0x1;
	s5 =	sadd.s32 s21, s3  }
0x9d: {  	[timem:s7], [sflag:s22] =	dma.local [hbm:s5], s20  }
0x9e: {  	_ =	swait.ge [sflag:s22], s20  }
0x9f: {  	s4 =	ssub.s32 $0x0, s20;
	[sflag:s22] =	ssyncset.done $0x0  }
0xa0: {  	[sflag:s22] =	ssyncadd.s32 s4;
	_ =	sdelay $0x1  }
0xa1: {  	s23 =	simm.s32 $0x1B8B  }
0xa2: {  	_ =	swait.ge [sflag:s23], $0x1  }
0xa3: {  	[sflag:s23] =	ssyncset.done $0x0  }
0xa4: {  	s25 =	simm.s32 $0x1B8E;
	s24 =	sld [smem:$0x3FFE];
	[sflag:s23] =	ssyncadd.s32 $0xFFFFFFFF  }
0xa5: {  	s26 =	simm.s32 $execute0_lowered;
	[smem:$0x3FD2] =	sst s25  }
0xa6: {  	s5 =	sshll.u32 s26, $0x1;
	_ =	strace $0x80000046;
	[dreg:$0x1] =	wrdreg $0xFFFFFFFF  }
0xa7: {  	s28 =	simm.s32 $_size_execute0_lowered;
	s3 =	sadd.s32 s3, s5;
	[dreg:$0x0] =	wrdreg $0x0  }
0xa8: {  	s5 =	sshll.u32 s28, $0x1;
	[dreg:$0x2] =	wrdreg s3  }
0xa9: {  	[dreg:$0x3] =	wrdreg s5  }
0xaa: {  	[dreg:$0x4] =	wrdreg $0xC0  }
0xab: {  	_ =	task [dreg:s7], $0x5FFFF  }
0xac: {  	[dreg:$0x1] =	wrdreg $0xFFFFFFFF  }
0xad: {  	[dreg:$0x0] =	wrdreg $0x60  }
0xae: {  	[dreg:$0x2] =	wrdreg s24  }
0xaf: {  	[dreg:$0x3] =	wrdreg s2  }
0xb0: {  	[dreg:$0x4] =	wrdreg $0x9  }
0xb1: {  	_ =	task.clear_ibuf [dreg:s7], $0x5FFFF;
	_ =	strace $0x90000046  }
0xb2: {  	s29 =	simm.s32 $0x9;
	_ =	strace $0x80000048  }
0xb3: {  	_ =	swait.ge [sflag:s29], $0x1  }
0xb4: {  	[sflag:s29] =	ssyncadd.s32 $0xFFFFFFFF  }
0xb5: {  	_ =	strace $0x90000048  }
0xb6: {  	_ =	sfence  }
0xb7: {  	s30 =	sld [smem:$0x0];
	_ =	sdelay $0x2  }
0xb8: {  	s31 =	sshll.u32 s1, $0xD;
	s1 =	sshrl.u32 s1, $0x2  }
0xb9: {  	s3 =	sand.u32 $0x4000, s31;
	s1 =	sadd.s32 s1, s30  }
0xba: {  	s0 =	sor.u32 s3, s0;
	s1 =	sshll.u32 s1, $0x11  }
0xbb: {  	s0 =	sor.u32 s1, s0  }
0xbc: {  	s0 =	sadd.s32 $0x8F2B, s0  }
0xbd: {  	[sflag:s0] =	ssyncadd.remote.s32 $0x1  }
0xbe: {  	_ =	sfence.sel $0xFFFF  }
0xbf: {  	[dreg:$0x0] =	wrdreg $0xFFFFFFFF;
	(pc) =	sbr.abs _section_cstart, $3  }
0xc0: {  	[dreg:$0x1] =	wrdreg $0xFFFFFFFF  }
0xc1: {  	_ =	task.clear_ibuf [dreg:s7], $0x2FFFF;
	_ =	strace $0x9FFFFFFF  }
0xc2: {  	(tm) =	ssettm $0x7FFFFFFF  }
0xc3: {  	_ =	shalt  }
tec
execute0_lowered:
.L_overlay_start_1:
0x0: {  	(tag) =	ssettag $0x1  }
0x1: {  	s3 =	rddreg [dreg:$0x0]  }
0x2: {  	s7 =	rddreg [dreg:$0x1]  }
0x3: {  	s0 =	rddreg [dreg:$0x2];
	s2 =	simm.s32 $0x0;
	s4 =	srdreg.scid  }
0x4: {  	s1 =	stileid.u32;
	s12 =	simm.s32 $0x1;
	s13 =	simm.s32 $0x4800  }
0x5: {  	s14 =	simm.s32 $0x2;
	s15 =	simm.s32 $0x3;
	s16 =	simm.s32 $0x6800  }
0x6: {  	s17 =	simm.s32 $0x0;
	[smem:$0x7FF] =	sst s2;
	s4 =	sand.u32 $0x1, s4  }
0x7: {  	s5 =	sshll.u32 s1, $0x5;
	s8 =	sadd.s32 $0xE00, s3;
	s6 =	sshll.u32 s4, $0x4  }
0x8: {  	_ =	strace $0x80000047;
	s4 =	ssub.s32 $0x2, s4;
	s5 =	sor.u32 s6, s5  }
0x9: {  	s9 =	sshrl.u32 s4, $0x1;
	s6 =	sshll.u32 s5, $0x4;
	s10 =	sshll.u32 s5, $0x7  }
0xa: {  	s9 =	ssub.s32 s4, s9;
	s31 =	sadd.s32 s6, s3;
	s11 =	sor.u32 $0x400, s10  }
0xb: {  	s3 =	sadd.s32 s8, s10;
	s6 =	sadd.s32 s7, s10;
	s10 =	simm.s32 $0x2800  }
0xc: {  	s4 =	sadd.s32 s8, s11;
	s5 =	sadd.s32 $0x10E00, s31;
	s7 =	sadd.s32 s7, s11  }
0xd: {  	s8 =	smax.u32 s9, $0x1;
	s9 =	simm.s32 $0x800;
	s11 =	simm.s32 $0x4  }
.LBB2_1:
0xe: {  	[tilespmem:s9], [sflag:$0x1] =	stream.linear.gather [hbm4b:s3+s2], $0x2000, $0x38;
	[tilespmem:$0x8800] =	vst v63  }
0xf: {  	_ = 	snop  }
0x10: {  	[tilespmem:s10], [sflag:$0x2] =	stream.linear.gather [hbm4b:s4+s2], $0x2000, $0x38;
	[tilespmem:$0x8800] =	vst v63  }
0x11: {  	_ = 	snop  }
0x12: {  	[tilespmem:s2], [sflag:$0x4] =	stream.linear.gather [hbm4b:s5+s2], $0x800, $0x38;
	[tilespmem:$0x8800] =	vst v63  }
0x13: {  	_ =	swait.ge [sflag:s11], $0x800  }
0x14: {  	[sflag:s11] =	ssyncset.done $0x0  }
0x15: {  	[sflag:s11] =	ssyncadd.s32 $0xFFFFF800  }
0x16: {  	_ =	swait.ge [sflag:s12], $0x2000  }
0x17: {  	[sflag:s12] =	ssyncset.done $0x0  }
0x18: {  	s18 =	simm.s32 $0x0;
	[sflag:s12] =	ssyncadd.s32 $0xFFFFE000  }
0x19: {  	v1 =	vld [tilespmem:s18+$0x10]  }
0x1a: {  	v2 =	vld [tilespmem:s18+$0x0]  }
0x1b: {  	v3 =	vld [tilespmem:s18+$0x2470]  }
0x1c: {  	v4 =	vld [tilespmem:s18+$0x800]  }
0x1d: {  	v5 =	vld [tilespmem:s18+$0x810]  }
0x1e: {  	v6 =	vld [tilespmem:s18+$0x820]  }
0x1f: {  	v7 =	vld [tilespmem:s18+$0x830]  }
0x20: {  	v8 =	vld [tilespmem:s18+$0x840]  }
0x21: {  	v9 =	vld [tilespmem:s18+$0x850]  }
0x22: {  	v10 =	vld [tilespmem:s18+$0x860]  }
0x23: {  	v11 =	vld [tilespmem:s18+$0xC00]  }
0x24: {  	v12 =	vld [tilespmem:s18+$0xC10]  }
0x25: {  	v13 =	vld [tilespmem:s18+$0xC20]  }
0x26: {  	v14 =	vld [tilespmem:s18+$0xC30]  }
0x27: {  	v15 =	vld [tilespmem:s18+$0xC40]  }
0x28: {  	v16 =	vld [tilespmem:s18+$0xC50]  }
0x29: {  	v17 =	vld [tilespmem:s18+$0xC60]  }
0x2a: {  	v18 =	vld [tilespmem:s18+$0xC70]  }
0x2b: {  	v20 =	vld [tilespmem:s18+$0x1000];
	v0 =	vbroadcast v1, $0xF  }
0x2c: {  	v21 =	vld [tilespmem:s18+$0x1010];
	v19 =	vbroadcast v2, $0x0  }
0x2d: {  	v22 =	vld [tilespmem:s18+$0x1020];
	v3 =	vmul.f32 v3, v0  }
0x2e: {  	v23 =	vld [tilespmem:s18+$0x1030];
	v24 =	vbroadcast v2, $0x1;
	v4 =	vmul.f32 v4, v19  }
0x2f: {  	v25 =	vld [tilespmem:s18+$0x2040];
	v5 =	vmul.f32 v5, v19;
	v19 =	vbroadcast v2, $0x2;
	[tilespmem:s18+$0x6470] =	vst v3  }
0x30: {  	v26 =	vld [tilespmem:s18+$0x2050];
	v6 =	vmul.f32 v6, v24;
	v7 =	vmul.f32 v7, v24;
	[tilespmem:s18+$0x4800] =	vst v4  }
0x31: {  	v24 =	vbroadcast v2, $0x3;
	v3 =	vld [tilespmem:s18+$0x870];
	[tilespmem:s18+$0x4810] =	vst v5;
	v8 =	vmul.f32 v8, v19  }
0x32: {  	v27 =	vld [tilespmem:s18+$0x2060];
	[tilespmem:s18+$0x4820] =	vst v6;
	v9 =	vmul.f32 v9, v19;
	v19 =	vbroadcast v2, $0x4  }
0x33: {  	v29 =	vld [tilespmem:s18+$0x2070];
	[tilespmem:s18+$0x4830] =	vst v7  }
0x34: {  	v33 =	vld [tilespmem:s18+$0x2400];
	v10 =	vmul.f32 v10, v24;
	[tilespmem:s18+$0x4840] =	vst v8;
	v11 =	vmul.f32 v11, v19  }
0x35: {  	v36 =	vld [tilespmem:s18+$0x2410];
	[tilespmem:s18+$0x4850] =	vst v9;
	v12 =	vmul.f32 v12, v19;
	v19 =	vbroadcast v2, $0x6  }
0x36: {  	v4 =	vld [tilespmem:s18+$0x1040];
	[tilespmem:s18+$0x4860] =	vst v10;
	v3 =	vmul.f32 v3, v24;
	v24 =	vbroadcast v2, $0x5  }
0x37: {  	v5 =	vld [tilespmem:s18+$0x1050];
	[tilespmem:s18+$0x4C00] =	vst v11;
	v15 =	vmul.f32 v15, v19;
	v16 =	vmul.f32 v16, v19  }
0x38: {  	v6 =	vld [tilespmem:s18+$0x1060];
	[tilespmem:s18+$0x4C10] =	vst v12;
	v19 =	vbroadcast v2, $0x8;
	v13 =	vmul.f32 v13, v24  }
0x39: {  	v7 =	vld [tilespmem:s18+$0x1070];
	[tilespmem:s18+$0x4C40] =	vst v15;
	v14 =	vmul.f32 v14, v24;
	v24 =	vbroadcast v2, $0x7  }
0x3a: {  	v28 =	vbroadcast v1, $0x7;
	v8 =	vld [tilespmem:s18+$0x1400];
	[tilespmem:s18+$0x4C50] =	vst v16;
	v20 =	vmul.f32 v20, v19  }
0x3b: {  	v9 =	vld [tilespmem:s18+$0x1410];
	v19 =	vmul.f32 v21, v19;
	[tilespmem:s18+$0x4870] =	vst v3;
	v17 =	vmul.f32 v17, v24  }
0x3c: {  	v10 =	vld [tilespmem:s18+$0x1420];
	[tilespmem:s18+$0x5000] =	vst v20;
	v18 =	vmul.f32 v18, v24;
	v24 =	vbroadcast v2, $0x9  }
0x3d: {  	v30 =	vbroadcast v1, $0x8;
	v31 =	vbroadcast v1, $0x9;
	v11 =	vld [tilespmem:s18+$0x1440];
	[tilespmem:s18+$0x5010] =	vst v19  }
0x3e: {  	v12 =	vld [tilespmem:s18+$0x1450];
	[tilespmem:s18+$0x4C20] =	vst v13;
	v21 =	vmul.f32 v22, v24;
	v22 =	vbroadcast v2, $0xA  }
0x3f: {  	v32 =	vbroadcast v1, $0xA;
	v15 =	vld [tilespmem:s18+$0x1800];
	[tilespmem:s18+$0x4C30] =	vst v14;
	v23 =	vmul.f32 v23, v24  }
0x40: {  	v16 =	vld [tilespmem:s18+$0x1810];
	[tilespmem:s18+$0x4C60] =	vst v17;
	v24 =	vbroadcast v2, $0xB;
	v4 =	vmul.f32 v4, v22  }
0x41: {  	v3 =	vld [tilespmem:s18+$0x1430];
	[tilespmem:s18+$0x4C70] =	vst v18;
	v5 =	vmul.f32 v5, v22;
	v22 =	vbroadcast v2, $0xC  }
0x42: {  	v34 =	vbroadcast v1, $0xB;
	v13 =	vld [tilespmem:s18+$0x1460];
	[tilespmem:s18+$0x5020] =	vst v21;
	v6 =	vmul.f32 v6, v24  }
0x43: {  	v14 =	vld [tilespmem:s18+$0x1470];
	[tilespmem:s18+$0x5030] =	vst v23;
	v7 =	vmul.f32 v7, v24;
	v8 =	vmul.f32 v8, v22  }
0x44: {  	v20 =	vld [tilespmem:s18+$0x1840];
	[tilespmem:s18+$0x5040] =	vst v4;
	v9 =	vmul.f32 v9, v22;
	v22 =	vbroadcast v2, $0xE  }
0x45: {  	v19 =	vld [tilespmem:s18+$0x1850];
	v24 =	vbroadcast v2, $0xD;
	[tilespmem:s18+$0x5050] =	vst v5;
	v2 =	vbroadcast v2, $0xF  }
0x46: {  	v35 =	vbroadcast v1, $0xC;
	v17 =	vld [tilespmem:s18+$0x1820];
	[tilespmem:s18+$0x5060] =	vst v6;
	v11 =	vmul.f32 v11, v22  }
0x47: {  	v18 =	vld [tilespmem:s18+$0x1830];
	[tilespmem:s18+$0x5070] =	vst v7;
	v12 =	vmul.f32 v12, v22;
	v13 =	vmul.f32 v13, v2  }
0x48: {  	v4 =	vld [tilespmem:s18+$0x1C00];
	[tilespmem:s18+$0x5400] =	vst v8;
	v22 =	vbroadcast v1, $0x0;
	v2 =	vmul.f32 v14, v2  }
0x49: {  	v5 =	vld [tilespmem:s18+$0x1C10];
	v10 =	vmul.f32 v10, v24;
	v3 =	vmul.f32 v3, v24;
	[tilespmem:s18+$0x5410] =	vst v9  }
0x4a: {  	v6 =	vld [tilespmem:s18+$0x1C20];
	v14 =	vmul.f32 v15, v22;
	[tilespmem:s18+$0x5470] =	vst v2;
	v2 =	vbroadcast v1, $0x1  }
0x4b: {  	v7 =	vld [tilespmem:s18+$0x1C30];
	[tilespmem:s18+$0x5430] =	vst v3;
	v15 =	vmul.f32 v16, v22;
	v16 =	vbroadcast v1, $0x4  }
0x4c: {  	v8 =	vld [tilespmem:s18+$0x1C40];
	v22 =	vbroadcast v1, $0x6;
	[tilespmem:s18+$0x5800] =	vst v14;
	v14 =	vmul.f32 v17, v2  }
0x4d: {  	v9 =	vld [tilespmem:s18+$0x1C50];
	[tilespmem:s18+$0x5810] =	vst v15;
	v15 =	vbroadcast v1, $0x2;
	v2 =	vmul.f32 v18, v2  }
0x4e: {  	v3 =	vld [tilespmem:s18+$0x1C70];
	[tilespmem:s18+$0x5440] =	vst v11;
	v17 =	vbroadcast v1, $0x5;
	v4 =	vmul.f32 v4, v16  }
0x4f: {  	v11 =	vld [tilespmem:s18+$0x2000];
	v5 =	vmul.f32 v5, v16;
	[tilespmem:s18+$0x5820] =	vst v14;
	v14 =	vbroadcast v1, $0x3  }
0x50: {  	v21 =	vld [tilespmem:s18+$0x1860];
	v18 =	vmul.f32 v20, v15;
	[tilespmem:s18+$0x5830] =	vst v2;
	v2 =	vmul.f32 v19, v15  }
0x51: {  	v23 =	vld [tilespmem:s18+$0x1870];
	[tilespmem:s18+$0x5420] =	vst v10;
	v6 =	vmul.f32 v6, v17;
	v19 =	vmul.f32 v7, v17  }
0x52: {  	v10 =	vld [tilespmem:s18+$0x1C60];
	[tilespmem:s18+$0x5450] =	vst v12;
	v20 =	vmul.f32 v8, v22;
	v17 =	vmul.f32 v9, v22  }
0x53: {  	v24 =	vld [tilespmem:s18+$0x2030];
	[tilespmem:s18+$0x5460] =	vst v13;
	v7 =	vmul.f32 v3, v28;
	v8 =	vmul.f32 v29, v34  }
0x54: {  	v13 =	vld [tilespmem:s18+$0x2020];
	[tilespmem:s18+$0x5C00] =	vst v4;
	v9 =	vmul.f32 v36, v35;
	v16 =	vmul.f32 v11, v30  }
0x55: {  	v12 =	vld [tilespmem:s18+$0x2010];
	[tilespmem:s18+$0x5C10] =	vst v5;
	v11 =	vmul.f32 v26, v32;
	v15 =	vmul.f32 v21, v14  }
0x56: {  	[tilespmem:s18+$0x5850] =	vst v2;
	v2 =	vbroadcast v1, $0xD;
	v1 =	vbroadcast v1, $0xE;
	v21 =	vld [tilespmem:s18+$0x2420]  }
0x57: {  	v22 =	vld [tilespmem:s18+$0x2430];
	[tilespmem:s18+$0x5840] =	vst v18;
	v14 =	vmul.f32 v23, v14;
	v18 =	vmul.f32 v10, v28  }
0x58: {  	v23 =	vld [tilespmem:s18+$0x2440];
	v10 =	vmul.f32 v27, v34;
	[tilespmem:s18+$0x5C20] =	vst v6;
	v6 =	vmul.f32 v33, v35  }
0x59: {  	[tilespmem:s18+$0x5870] =	vst v14;
	v14 =	vmul.f32 v13, v31;
	v13 =	vmul.f32 v24, v31;
	v24 =	vld [tilespmem:s18+$0x2450]  }
0x5a: {  	s19 =	simm.s32 $0x80;
	s20 =	simm.s32 $0x400;
	[tilespmem:s18+$0x5860] =	vst v15;
	v15 =	vmul.f32 v12, v30;
	v12 =	vmul.f32 v25, v32;
	v25 =	vld [tilespmem:s18+$0x2460]  }
.LBB2_2:
0x5b: {  	p0 =	sne.s32 s20, $0xE00;
	v26 =	vld [tilespmem:s19+$0x10];
	[tilespmem:s18+$0x5C30] =	vst v19;
	v3 =	vmul.f32 v21, v2  }
0x5c: {  	v4 =	vld [tilespmem:s19+$0x0];
	[tilespmem:s18+$0x5C40] =	vst v20;
	v2 =	vmul.f32 v22, v2  }
0x5d: {  	v5 =	vld [tilespmem:s19+$0x2470];
	[tilespmem:s18+$0x5C50] =	vst v17;
	v17 =	vmul.f32 v23, v1  }
0x5e: {  	v19 =	vld [tilespmem:s19+$0x800];
	[tilespmem:s18+$0x5C60] =	vst v18;
	v1 =	vmul.f32 v24, v1  }
0x5f: {  	v18 =	vld [tilespmem:s19+$0x810];
	[tilespmem:s18+$0x5C70] =	vst v7;
	v20 =	vmul.f32 v25, v0  }
0x60: {  	v21 =	vld [tilespmem:s19+$0x820];
	v7 =	vbroadcast v26, $0x0;
	v0 =	vbroadcast v26, $0xF;
	[tilespmem:s18+$0x6000] =	vst v16  }
0x61: {  	v16 =	vbroadcast v4, $0x0;
	v22 =	vbroadcast v4, $0x1;
	v23 =	vld [tilespmem:s19+$0x830];
	[tilespmem:s18+$0x6010] =	vst v15  }
0x62: {  	v24 =	vbroadcast v4, $0x2;
	v25 =	vld [tilespmem:s19+$0x840];
	v5 =	vmul.f32 v5, v0;
	[tilespmem:s18+$0x6020] =	vst v14  }
0x63: {  	v28 =	vbroadcast v4, $0x3;
	v29 =	vbroadcast v4, $0x4;
	v27 =	vld [tilespmem:s19+$0x850];
	[tilespmem:s18+$0x6030] =	vst v13  }
0x64: {  	v31 =	vbroadcast v4, $0x5;
	v32 =	vbroadcast v4, $0x6;
	v30 =	vld [tilespmem:s19+$0x860];
	[tilespmem:s19+$0x6470] =	vst v5  }
0x65: {  	v34 =	vbroadcast v4, $0x7;
	v35 =	vbroadcast v4, $0x8;
	v33 =	vld [tilespmem:s19+$0x870];
	[tilespmem:s18+$0x6040] =	vst v12  }
0x66: {  	v37 =	vbroadcast v4, $0x9;
	v38 =	vbroadcast v4, $0xA;
	v36 =	vld [tilespmem:s19+$0xC00];
	[tilespmem:s18+$0x6050] =	vst v11  }
0x67: {  	v40 =	vbroadcast v4, $0xB;
	v41 =	vbroadcast v4, $0xC;
	v39 =	vld [tilespmem:s19+$0xC10];
	[tilespmem:s18+$0x6060] =	vst v10  }
0x68: {  	v43 =	vbroadcast v4, $0xD;
	v44 =	vbroadcast v4, $0xE;
	v42 =	vld [tilespmem:s19+$0xC20];
	[tilespmem:s18+$0x6070] =	vst v8  }
0x69: {  	v46 =	vbroadcast v4, $0xF;
	v15 =	vbroadcast v26, $0x1;
	v45 =	vld [tilespmem:s19+$0xC30];
	[tilespmem:s18+$0x6400] =	vst v6  }
0x6a: {  	v14 =	vbroadcast v26, $0x2;
	v13 =	vbroadcast v26, $0x3;
	v47 =	vld [tilespmem:s19+$0xC40];
	[tilespmem:s18+$0x6410] =	vst v9  }
0x6b: {  	v12 =	vbroadcast v26, $0x4;
	v11 =	vbroadcast v26, $0x5;
	v48 =	vld [tilespmem:s19+$0xC50];
	[tilespmem:s18+$0x6420] =	vst v3  }
0x6c: {  	v10 =	vbroadcast v26, $0x6;
	v9 =	vbroadcast v26, $0x7;
	v49 =	vld [tilespmem:s19+$0xC60];
	[tilespmem:s18+$0x6430] =	vst v2  }
0x6d: {  	v8 =	vbroadcast v26, $0x8;
	v6 =	vbroadcast v26, $0x9;
	v50 =	vld [tilespmem:s19+$0xC70];
	[tilespmem:s18+$0x6440] =	vst v17  }
0x6e: {  	v4 =	vbroadcast v26, $0xB;
	v5 =	vbroadcast v26, $0xA;
	v17 =	vld [tilespmem:s19+$0x1000];
	[tilespmem:s18+$0x6450] =	vst v1  }
0x6f: {  	v3 =	vbroadcast v26, $0xC;
	v2 =	vbroadcast v26, $0xD;
	v51 =	vld [tilespmem:s19+$0x1010];
	[tilespmem:s18+$0x6460] =	vst v20;
	s18 =	smov.u32 s19  }
0x70: {  	v19 =	vmul.f32 v19, v16;
	v1 =	vbroadcast v26, $0xE;
	v20 =	vld [tilespmem:s18+$0x1020]  }
0x71: {  	v16 =	vmul.f32 v18, v16;
	v18 =	vmul.f32 v21, v22;
	v21 =	vld [tilespmem:s18+$0x1030]  }
0x72: {  	[tilespmem:s18+$0x4800] =	vst v19;
	v19 =	vmul.f32 v23, v22;
	v22 =	vmul.f32 v25, v24;
	v23 =	vld [tilespmem:s18+$0x1040]  }
0x73: {  	[tilespmem:s18+$0x4810] =	vst v16;
	v16 =	vmul.f32 v27, v24;
	v24 =	vmul.f32 v30, v28;
	v25 =	vld [tilespmem:s18+$0x1050]  }
0x74: {  	v26 =	vmul.f32 v36, v29;
	[tilespmem:s18+$0x4820] =	vst v18;
	v18 =	vmul.f32 v33, v28;
	v27 =	vld [tilespmem:s18+$0x1060]  }
0x75: {  	v28 =	vmul.f32 v42, v31;
	[tilespmem:s18+$0x4830] =	vst v19;
	v19 =	vmul.f32 v39, v29;
	v29 =	vld [tilespmem:s18+$0x1070]  }
0x76: {  	v30 =	vmul.f32 v47, v32;
	[tilespmem:s18+$0x4840] =	vst v22;
	v22 =	vmul.f32 v45, v31;
	v31 =	vld [tilespmem:s18+$0x1400]  }
0x77: {  	[tilespmem:s18+$0x4850] =	vst v16;
	v16 =	vmul.f32 v48, v32;
	v32 =	vmul.f32 v49, v34;
	v33 =	vld [tilespmem:s18+$0x1410]  }
0x78: {  	v17 =	vmul.f32 v17, v35;
	[tilespmem:s18+$0x4860] =	vst v24;
	v24 =	vmul.f32 v50, v34;
	v34 =	vld [tilespmem:s18+$0x1420]  }
0x79: {  	v20 =	vmul.f32 v20, v37;
	[tilespmem:s18+$0x4870] =	vst v18;
	v18 =	vmul.f32 v51, v35;
	v35 =	vld [tilespmem:s18+$0x1430]  }
0x7a: {  	v21 =	vmul.f32 v21, v37;
	v23 =	vmul.f32 v23, v38;
	[tilespmem:s18+$0x4C00] =	vst v26;
	v26 =	vld [tilespmem:s18+$0x1440]  }
0x7b: {  	[tilespmem:s18+$0x4C10] =	vst v19;
	v19 =	vmul.f32 v25, v38;
	v25 =	vmul.f32 v27, v40;
	v27 =	vld [tilespmem:s18+$0x1450]  }
0x7c: {  	[tilespmem:s18+$0x4C20] =	vst v28;
	v28 =	vmul.f32 v29, v40;
	v29 =	vmul.f32 v31, v41;
	v31 =	vld [tilespmem:s18+$0x1460]  }
0x7d: {  	[tilespmem:s18+$0x4C30] =	vst v22;
	v22 =	vmul.f32 v33, v41;
	v33 =	vmul.f32 v34, v43;
	v34 =	vld [tilespmem:s18+$0x1470]  }
0x7e: {  	[tilespmem:s18+$0x4C40] =	vst v30;
	v30 =	vmul.f32 v35, v43;
	v35 =	vld [tilespmem:s18+$0x1800]  }
0x7f: {  	[tilespmem:s18+$0x4C50] =	vst v16;
	v16 =	vmul.f32 v26, v44;
	v26 =	vld [tilespmem:s18+$0x1810]  }
0x80: {  	[tilespmem:s18+$0x4C60] =	vst v32;
	v27 =	vmul.f32 v27, v44;
	v32 =	vld [tilespmem:s18+$0x1820]  }
0x81: {  	[tilespmem:s18+$0x4C70] =	vst v24;
	v24 =	vmul.f32 v31, v46;
	v31 =	vld [tilespmem:s18+$0x1830]  }
0x82: {  	[tilespmem:s18+$0x5000] =	vst v17;
	v34 =	vmul.f32 v34, v46;
	v17 =	vld [tilespmem:s18+$0x1840]  }
0x83: {  	[tilespmem:s18+$0x5010] =	vst v18;
	v35 =	vmul.f32 v35, v7;
	v18 =	vld [tilespmem:s18+$0x1850]  }
0x84: {  	[tilespmem:s18+$0x5020] =	vst v20;
	v26 =	vmul.f32 v26, v7;
	v7 =	vld [tilespmem:s18+$0x1860]  }
0x85: {  	[tilespmem:s18+$0x5030] =	vst v21;
	v21 =	vmul.f32 v32, v15;
	v20 =	vld [tilespmem:s18+$0x1870]  }
0x86: {  	[tilespmem:s18+$0x5040] =	vst v23;
	v23 =	vmul.f32 v31, v15;
	v15 =	vld [tilespmem:s18+$0x1C00]  }
0x87: {  	[tilespmem:s18+$0x5050] =	vst v19;
	v31 =	vmul.f32 v17, v14;
	v17 =	vld [tilespmem:s18+$0x1C10]  }
0x88: {  	[tilespmem:s18+$0x5060] =	vst v25;
	v25 =	vmul.f32 v18, v14;
	v14 =	vld [tilespmem:s18+$0x1C20]  }
0x89: {  	[tilespmem:s18+$0x5070] =	vst v28;
	v28 =	vmul.f32 v7, v13;
	v7 =	vld [tilespmem:s18+$0x1C30]  }
0x8a: {  	[tilespmem:s18+$0x5400] =	vst v29;
	v29 =	vmul.f32 v20, v13;
	v13 =	vld [tilespmem:s18+$0x1C40]  }
0x8b: {  	[tilespmem:s18+$0x5410] =	vst v22;
	v32 =	vmul.f32 v15, v12;
	v15 =	vld [tilespmem:s18+$0x1C50]  }
0x8c: {  	[tilespmem:s18+$0x5420] =	vst v33;
	v33 =	vmul.f32 v17, v12;
	v12 =	vld [tilespmem:s18+$0x1C60]  }
0x8d: {  	[tilespmem:s18+$0x5430] =	vst v30;
	v30 =	vmul.f32 v14, v11;
	v14 =	vld [tilespmem:s18+$0x1C70]  }
0x8e: {  	[tilespmem:s18+$0x5440] =	vst v16;
	v19 =	vmul.f32 v7, v11;
	v11 =	vld [tilespmem:s18+$0x2000]  }
0x8f: {  	[tilespmem:s18+$0x5450] =	vst v27;
	v20 =	vmul.f32 v13, v10;
	v13 =	vld [tilespmem:s18+$0x2010]  }
0x90: {  	[tilespmem:s18+$0x5460] =	vst v24;
	v17 =	vmul.f32 v15, v10;
	v10 =	vld [tilespmem:s18+$0x2020]  }
0x91: {  	[tilespmem:s18+$0x5470] =	vst v34;
	v18 =	vmul.f32 v12, v9;
	v12 =	vld [tilespmem:s18+$0x2030]  }
0x92: {  	[tilespmem:s18+$0x5800] =	vst v35;
	v7 =	vmul.f32 v14, v9;
	v9 =	vld [tilespmem:s18+$0x2040]  }
0x93: {  	[tilespmem:s18+$0x5810] =	vst v26;
	v16 =	vmul.f32 v11, v8;
	v11 =	vld [tilespmem:s18+$0x2050]  }
0x94: {  	[tilespmem:s18+$0x5820] =	vst v21;
	v15 =	vmul.f32 v13, v8;
	v8 =	vld [tilespmem:s18+$0x2060]  }
0x95: {  	[tilespmem:s18+$0x5830] =	vst v23;
	v14 =	vmul.f32 v10, v6;
	v23 =	vld [tilespmem:s18+$0x2070]  }
0x96: {  	[tilespmem:s18+$0x5840] =	vst v31;
	v13 =	vmul.f32 v12, v6;
	v6 =	vld [tilespmem:s18+$0x2400]  }
0x97: {  	[tilespmem:s18+$0x5850] =	vst v25;
	v12 =	vmul.f32 v9, v5;
	v9 =	vld [tilespmem:s18+$0x2410]  }
.Ltmp0:
0x98: {  	[tilespmem:s18+$0x5860] =	vst v28;
	v11 =	vmul.f32 v11, v5;
	v21 =	vld [tilespmem:s18+$0x2420];
	(pc) =	sbr.rel @p0 .LBB2_2-.Ltmp0, $4  }
0x99: {  	[tilespmem:s18+$0x5870] =	vst v29;
	v10 =	vmul.f32 v8, v4;
	v22 =	vld [tilespmem:s18+$0x2430]  }
0x9a: {  	[tilespmem:s18+$0x5C00] =	vst v32;
	v8 =	vmul.f32 v23, v4;
	v23 =	vld [tilespmem:s18+$0x2440]  }
0x9b: {  	[tilespmem:s18+$0x5C10] =	vst v33;
	v6 =	vmul.f32 v6, v3;
	v24 =	vld [tilespmem:s18+$0x2450]  }
0x9c: {  	s19 =	sshra.s32 s20, $0x2;
	s20 =	sadd.s32 $0x200, s20;
	[tilespmem:s18+$0x5C20] =	vst v30;
	v9 =	vmul.f32 v9, v3;
	v25 =	vld [tilespmem:s18+$0x2460]  }
0x9d: {  	v3 =	vld [tilespmem:s19+$0x10];
	[tilespmem:s18+$0x5C30] =	vst v19  }
0x9e: {  	v5 =	vld [tilespmem:s19+$0x0];
	[tilespmem:s18+$0x5C40] =	vst v20  }
0x9f: {  	v19 =	vld [tilespmem:s19+$0x2470];
	[tilespmem:s18+$0x5C50] =	vst v17  }
0xa0: {  	v17 =	vld [tilespmem:s19+$0x800];
	[tilespmem:s18+$0x5C60] =	vst v18  }
0xa1: {  	v18 =	vld [tilespmem:s19+$0x810];
	[tilespmem:s18+$0x5C70] =	vst v7  }
0xa2: {  	v7 =	vld [tilespmem:s19+$0x820];
	[tilespmem:s18+$0x6000] =	vst v16;
	v4 =	vbroadcast v3, $0xF  }
0xa3: {  	v16 =	vld [tilespmem:s19+$0x830];
	[tilespmem:s18+$0x6010] =	vst v15  }
0xa4: {  	v15 =	vld [tilespmem:s19+$0x840];
	[tilespmem:s18+$0x6020] =	vst v14;
	v19 =	vmul.f32 v19, v4  }
0xa5: {  	v14 =	vld [tilespmem:s19+$0x850];
	[tilespmem:s18+$0x6030] =	vst v13  }
0xa6: {  	v13 =	vld [tilespmem:s19+$0x860];
	[tilespmem:s19+$0x6470] =	vst v19  }
0xa7: {  	v50 =	vld [tilespmem:s19+$0x870];
	[tilespmem:s18+$0x6040] =	vst v12  }
0xa8: {  	v12 =	vld [tilespmem:s19+$0xC00];
	[tilespmem:s18+$0x6050] =	vst v11  }
0xa9: {  	v11 =	vld [tilespmem:s19+$0xC10];
	[tilespmem:s18+$0x6060] =	vst v10  }
0xaa: {  	v10 =	vld [tilespmem:s19+$0xC20];
	[tilespmem:s18+$0x6070] =	vst v8  }
0xab: {  	v51 =	vmul.f32 v21, v2;
	v8 =	vld [tilespmem:s19+$0xC30];
	[tilespmem:s18+$0x6400] =	vst v6  }
0xac: {  	v52 =	vmul.f32 v22, v2;
	v6 =	vld [tilespmem:s19+$0xC40];
	[tilespmem:s18+$0x6410] =	vst v9  }
0xad: {  	v53 =	vmul.f32 v23, v1;
	v9 =	vld [tilespmem:s19+$0xC50];
	[tilespmem:s18+$0x6420] =	vst v51  }
0xae: {  	v54 =	vmul.f32 v24, v1;
	v55 =	vbroadcast v5, $0x0;
	v20 =	vld [tilespmem:s19+$0xC60];
	[tilespmem:s18+$0x6430] =	vst v52  }
0xaf: {  	v0 =	vmul.f32 v25, v0;
	v2 =	vld [tilespmem:s19+$0xC70];
	[tilespmem:s18+$0x6440] =	vst v53  }
0xb0: {  	v60 =	vbroadcast v5, $0x1;
	v57 =	vmul.f32 v17, v55;
	v21 =	vld [tilespmem:s19+$0x1000];
	[tilespmem:s18+$0x6450] =	vst v54  }
0xb1: {  	v1 =	vmul.f32 v18, v55;
	v56 =	vld [tilespmem:s19+$0x1010];
	[tilespmem:s18+$0x6460] =	vst v0  }
0xb2: {  	v63 =	vbroadcast v5, $0x2;
	v7 =	vmul.f32 v7, v60;
	[tilespmem:s19+$0x4800] =	vst v57  }
0xb3: {  	v16 =	vmul.f32 v16, v60;
	[tilespmem:s19+$0x4810] =	vst v1  }
0xb4: {  	v30 =	vbroadcast v5, $0x3;
	v15 =	vmul.f32 v15, v63;
	[tilespmem:s19+$0x4820] =	vst v7  }
0xb5: {  	v14 =	vmul.f32 v14, v63;
	[tilespmem:s19+$0x4830] =	vst v16  }
0xb6: {  	v33 =	vbroadcast v5, $0x4;
	v13 =	vmul.f32 v13, v30;
	[tilespmem:s19+$0x4840] =	vst v15  }
0xb7: {  	v19 =	vmul.f32 v50, v30;
	[tilespmem:s19+$0x4850] =	vst v14  }
0xb8: {  	v36 =	vbroadcast v5, $0x5;
	v12 =	vmul.f32 v12, v33;
	[tilespmem:s19+$0x4860] =	vst v13  }
0xb9: {  	v11 =	vmul.f32 v11, v33;
	[tilespmem:s19+$0x4870] =	vst v19  }
0xba: {  	v39 =	vbroadcast v5, $0x6;
	v10 =	vmul.f32 v10, v36;
	[tilespmem:s19+$0x4C00] =	vst v12  }
0xbb: {  	v8 =	vmul.f32 v8, v36;
	[tilespmem:s19+$0x4C10] =	vst v11  }
0xbc: {  	v42 =	vbroadcast v5, $0x7;
	v6 =	vmul.f32 v6, v39;
	[tilespmem:s19+$0x4C20] =	vst v10  }
0xbd: {  	v58 =	vld [tilespmem:s19+$0x1020];
	[tilespmem:s19+$0x4C30] =	vst v8;
	v9 =	vmul.f32 v9, v39  }
0xbe: {  	v46 =	vbroadcast v5, $0x8;
	v59 =	vld [tilespmem:s19+$0x1030];
	[tilespmem:s19+$0x4C40] =	vst v6;
	v44 =	vmul.f32 v20, v42  }
0xbf: {  	v61 =	vld [tilespmem:s19+$0x1040];
	[tilespmem:s19+$0x4C50] =	vst v9;
	v2 =	vmul.f32 v2, v42  }
0xc0: {  	v49 =	vbroadcast v5, $0x9;
	v62 =	vld [tilespmem:s19+$0x1050];
	[tilespmem:s19+$0x4C60] =	vst v44;
	v21 =	vmul.f32 v21, v46  }
0xc1: {  	v28 =	vld [tilespmem:s19+$0x1060];
	[tilespmem:s19+$0x4C70] =	vst v2;
	v20 =	vmul.f32 v56, v46  }
0xc2: {  	v52 =	vbroadcast v5, $0xA;
	v29 =	vld [tilespmem:s19+$0x1070];
	[tilespmem:s19+$0x5000] =	vst v21;
	v17 =	vmul.f32 v58, v49  }
0xc3: {  	v37 =	vld [tilespmem:s19+$0x1440];
	v23 =	vmul.f32 v59, v49;
	[tilespmem:s19+$0x5010] =	vst v20  }
0xc4: {  	v55 =	vbroadcast v5, $0xB;
	v38 =	vld [tilespmem:s19+$0x1450];
	v0 =	vmul.f32 v61, v52;
	[tilespmem:s19+$0x5020] =	vst v17  }
0xc5: {  	v43 =	vld [tilespmem:s19+$0x1800];
	v1 =	vmul.f32 v62, v52;
	[tilespmem:s19+$0x5030] =	vst v23  }
0xc6: {  	v25 =	vbroadcast v5, $0xE;
	v45 =	vld [tilespmem:s19+$0x1810];
	v7 =	vmul.f32 v28, v55;
	[tilespmem:s19+$0x5040] =	vst v0  }
0xc7: {  	v47 =	vld [tilespmem:s19+$0x1820];
	v16 =	vmul.f32 v29, v55;
	[tilespmem:s19+$0x5050] =	vst v1  }
0xc8: {  	v30 =	vbroadcast v3, $0x0;
	v48 =	vld [tilespmem:s19+$0x1830];
	v12 =	vmul.f32 v37, v25;
	[tilespmem:s19+$0x5060] =	vst v7  }
0xc9: {  	v50 =	vld [tilespmem:s19+$0x1840];
	v11 =	vmul.f32 v38, v25;
	[tilespmem:s19+$0x5070] =	vst v16  }
0xca: {  	v33 =	vbroadcast v3, $0x1;
	v51 =	vld [tilespmem:s19+$0x1850];
	v6 =	vmul.f32 v43, v30;
	[tilespmem:s19+$0x5440] =	vst v12  }
0xcb: {  	v31 =	vld [tilespmem:s19+$0x1400];
	v9 =	vmul.f32 v45, v30;
	[tilespmem:s19+$0x5450] =	vst v11  }
0xcc: {  	v36 =	vbroadcast v3, $0x2;
	v32 =	vld [tilespmem:s19+$0x1410];
	v18 =	vmul.f32 v47, v33;
	[tilespmem:s19+$0x5800] =	vst v6  }
0xcd: {  	v34 =	vld [tilespmem:s19+$0x1420];
	v2 =	vmul.f32 v48, v33;
	[tilespmem:s19+$0x5810] =	vst v9  }
0xce: {  	v35 =	vld [tilespmem:s19+$0x1430];
	v58 =	vbroadcast v5, $0xC;
	v38 =	vmul.f32 v50, v36;
	[tilespmem:s19+$0x5820] =	vst v18  }
0xcf: {  	v40 =	vld [tilespmem:s19+$0x1460];
	v20 =	vmul.f32 v51, v36;
	[tilespmem:s19+$0x5830] =	vst v2  }
0xd0: {  	v41 =	vld [tilespmem:s19+$0x1470];
	v61 =	vbroadcast v5, $0xD;
	v15 =	vmul.f32 v31, v58;
	[tilespmem:s19+$0x5840] =	vst v38  }
0xd1: {  	v57 =	vld [tilespmem:s19+$0x1C10];
	v14 =	vmul.f32 v32, v58;
	[tilespmem:s19+$0x5850] =	vst v20  }
0xd2: {  	v60 =	vld [tilespmem:s19+$0x1C30];
	v5 =	vbroadcast v5, $0xF;
	v13 =	vmul.f32 v34, v61;
	[tilespmem:s19+$0x5400] =	vst v15  }
0xd3: {  	v39 =	vld [tilespmem:s19+$0x2070];
	v19 =	vmul.f32 v35, v61;
	[tilespmem:s19+$0x5410] =	vst v14  }
0xd4: {  	v53 =	vld [tilespmem:s19+$0x1860];
	v43 =	vbroadcast v3, $0x4;
	v10 =	vmul.f32 v40, v5;
	[tilespmem:s19+$0x5420] =	vst v13  }
0xd5: {  	v54 =	vld [tilespmem:s19+$0x1870];
	v46 =	vbroadcast v3, $0x5;
	v5 =	vmul.f32 v41, v5;
	[tilespmem:s19+$0x5430] =	vst v19  }
0xd6: {  	v56 =	vld [tilespmem:s19+$0x1C00];
	v55 =	vbroadcast v3, $0xB;
	v1 =	vmul.f32 v57, v43;
	[tilespmem:s19+$0x5460] =	vst v10  }
0xd7: {  	v63 =	vld [tilespmem:s19+$0x1C50];
	v40 =	vbroadcast v3, $0x3;
	v16 =	vmul.f32 v60, v46;
	[tilespmem:s19+$0x5470] =	vst v5  }
0xd8: {  	v26 =	vld [tilespmem:s19+$0x1C60];
	v2 =	vmul.f32 v39, v55;
	[tilespmem:s19+$0x5C10] =	vst v1  }
0xd9: {  	v44 =	vld [tilespmem:s19+$0x2420];
	v17 =	vmul.f32 v53, v40;
	[tilespmem:s19+$0x5C30] =	vst v16  }
0xda: {  	v59 =	vld [tilespmem:s19+$0x1C20];
	v48 =	vbroadcast v3, $0x6;
	v21 =	vmul.f32 v54, v40;
	[tilespmem:s19+$0x6070] =	vst v2  }
0xdb: {  	v62 =	vld [tilespmem:s19+$0x1C40];
	v50 =	vbroadcast v3, $0x7;
	v0 =	vmul.f32 v56, v43;
	[tilespmem:s19+$0x5860] =	vst v17  }
0xdc: {  	v28 =	vld [tilespmem:s19+$0x2000];
	v58 =	vbroadcast v3, $0xD;
	v1 =	vmul.f32 v63, v48;
	[tilespmem:s19+$0x5870] =	vst v21  }
0xdd: {  	v29 =	vld [tilespmem:s19+$0x2010];
	v13 =	vmul.f32 v26, v50;
	[tilespmem:s19+$0x5C00] =	vst v0  }
0xde: {  	v37 =	vld [tilespmem:s19+$0x2060];
	v61 =	vmul.f32 v44, v58;
	[tilespmem:s19+$0x5C50] =	vst v1  }
0xdf: {  	v45 =	vld [tilespmem:s19+$0x2430];
	v52 =	vbroadcast v3, $0x8;
	v7 =	vmul.f32 v59, v46;
	[tilespmem:s19+$0x5C60] =	vst v13  }
0xe0: {  	v49 =	vld [tilespmem:s19+$0x2450];
	v15 =	vmul.f32 v62, v48;
	[tilespmem:s19+$0x6420] =	vst v61  }
0xe1: {  	v47 =	vld [tilespmem:s19+$0x2440];
	v12 =	vmul.f32 v28, v52;
	[tilespmem:s19+$0x5C20] =	vst v7  }
0xe2: {  	v51 =	vld [tilespmem:s19+$0x2460];
	v11 =	vmul.f32 v29, v52;
	[tilespmem:s19+$0x5C40] =	vst v15  }
0xe3: {  	v27 =	vld [tilespmem:s19+$0x1C70];
	v60 =	vbroadcast v3, $0xE;
	v57 =	vmul.f32 v37, v55;
	[tilespmem:s19+$0x6000] =	vst v12  }
0xe4: {  	v31 =	vld [tilespmem:s19+$0x2020];
	v5 =	vmul.f32 v45, v58;
	[tilespmem:s19+$0x6010] =	vst v11  }
0xe5: {  	v32 =	vld [tilespmem:s19+$0x2030];
	v62 =	vmul.f32 v49, v60;
	[tilespmem:s19+$0x6060] =	vst v57  }
0xe6: {  	v34 =	vld [tilespmem:s19+$0x2040];
	v0 =	vmul.f32 v47, v60;
	[tilespmem:s19+$0x6430] =	vst v5  }
0xe7: {  	v41 =	vld [tilespmem:s19+$0x2400];
	v53 =	vbroadcast v3, $0x9;
	v63 =	vmul.f32 v51, v4;
	[tilespmem:s19+$0x6450] =	vst v62  }
0xe8: {  	v35 =	vld [tilespmem:s19+$0x2050];
	v7 =	vmul.f32 v27, v50;
	[tilespmem:s19+$0x6440] =	vst v0  }
0xe9: {  	v42 =	vld [tilespmem:s19+$0x2410];
	v54 =	vbroadcast v3, $0xA;
	v8 =	vmul.f32 v31, v53;
	[tilespmem:s19+$0x6460] =	vst v63  }
0xea: {  	v56 =	vbroadcast v3, $0xC;
	v1 =	vmul.f32 v32, v53;
	[tilespmem:s19+$0x5C70] =	vst v7  }
0xeb: {  	v6 =	vmul.f32 v34, v54;
	[tilespmem:s19+$0x6020] =	vst v8  }
0xec: {  	v59 =	vmul.f32 v41, v56;
	[tilespmem:s19+$0x6030] =	vst v1  }
0xed: {  	v7 =	vmul.f32 v35, v54;
	[tilespmem:s19+$0x6040] =	vst v6  }
0xee: {  	v1 =	vmul.f32 v42, v56;
	[tilespmem:s19+$0x6400] =	vst v59  }
0xef: {  	[tilespmem:s19+$0x6050] =	vst v7  }
0xf0: {  	s18 =	simm.s32 $0x0;
	[tilespmem:s19+$0x6410] =	vst v1  }
0xf1: {  	[hbm4b:s6+s18] =	stream.linear.scatter [tilespmem:s13], [sflag:$0x3], $0x2000, $0x38;
	[tilespmem:$0x8800] =	vst v63  }
0xf2: {  	_ =	swait.ge [sflag:s14], $0x2000  }
0xf3: {  	[sflag:s14] =	ssyncset.done $0x0  }
0xf4: {  	s20 =	simm.s32 $0x2000;
	s19 =	simm.s32 $0x2000;
	[sflag:s14] =	ssyncadd.s32 $0xFFFFE000  }
.LBB2_4:
0xf5: {  	s22 =	sshra.s32 s18, $0x2  }
0xf6: {  	s21 =	sand.u32 $0x3FFFE000, s19;
	v1 =	vld [tilespmem:s22+$0x400]  }
0xf7: {  	s21 =	sadd.s32 s22, s21;
	v0 =	vld [tilespmem:s22+$0x410]  }
0xf8: {  	v2 =	vld [tilespmem:s21+$0x800]  }
0xf9: {  	v3 =	vld [tilespmem:s21+$0x810]  }
0xfa: {  	v4 =	vld [tilespmem:s21+$0x820]  }
0xfb: {  	v6 =	vld [tilespmem:s21+$0x830];
	v5 =	vbroadcast v1, $0x0  }
0xfc: {  	v7 =	vld [tilespmem:s21+$0x840]  }
0xfd: {  	v9 =	vld [tilespmem:s21+$0x850];
	v8 =	vbroadcast v1, $0x1;
	v2 =	vmul.f32 v2, v5  }
0xfe: {  	v38 =	vld [tilespmem:s21+$0x860];
	v3 =	vmul.f32 v3, v5  }
0xff: {  	v10 =	vld [tilespmem:s21+$0x870];
	v40 =	vbroadcast v1, $0x2;
	v39 =	vmul.f32 v4, v8;
	[tilespmem:s21+$0x4800] =	vst v2  }
0x100: {  	v42 =	vld [tilespmem:s21+$0xC00];
	v41 =	vmul.f32 v6, v8;
	[tilespmem:s21+$0x4810] =	vst v3  }
0x101: {  	v45 =	vld [tilespmem:s21+$0xC10];
	v44 =	vbroadcast v1, $0x3;
	v43 =	vmul.f32 v7, v40;
	[tilespmem:s21+$0x4820] =	vst v39  }
0x102: {  	v47 =	vld [tilespmem:s21+$0xC20];
	v46 =	vmul.f32 v9, v40;
	[tilespmem:s21+$0x4830] =	vst v41  }
0x103: {  	v50 =	vld [tilespmem:s21+$0xC30];
	v49 =	vbroadcast v1, $0x4;
	v48 =	vmul.f32 v38, v44;
	[tilespmem:s21+$0x4840] =	vst v43  }
0x104: {  	v52 =	vld [tilespmem:s21+$0xC40];
	v51 =	vmul.f32 v10, v44;
	[tilespmem:s21+$0x4850] =	vst v46  }
0x105: {  	v55 =	vld [tilespmem:s21+$0xC50];
	v54 =	vbroadcast v1, $0x5;
	v53 =	vmul.f32 v42, v49;
	[tilespmem:s21+$0x4860] =	vst v48  }
0x106: {  	v57 =	vld [tilespmem:s21+$0xC60];
	v56 =	vmul.f32 v45, v49;
	[tilespmem:s21+$0x4870] =	vst v51  }
0x107: {  	v60 =	vld [tilespmem:s21+$0xC70];
	v59 =	vbroadcast v1, $0x6;
	v58 =	vmul.f32 v47, v54;
	[tilespmem:s21+$0x4C00] =	vst v53  }
0x108: {  	v62 =	vld [tilespmem:s21+$0x1000];
	v61 =	vmul.f32 v50, v54;
	[tilespmem:s21+$0x4C10] =	vst v56  }
0x109: {  	v13 =	vld [tilespmem:s21+$0x1010];
	v12 =	vbroadcast v1, $0x7;
	v63 =	vmul.f32 v52, v59;
	[tilespmem:s21+$0x4C20] =	vst v58  }
0x10a: {  	v15 =	vld [tilespmem:s21+$0x1020];
	v14 =	vmul.f32 v55, v59;
	[tilespmem:s21+$0x4C30] =	vst v61  }
0x10b: {  	v18 =	vld [tilespmem:s21+$0x1030];
	v17 =	vbroadcast v1, $0x8;
	v16 =	vmul.f32 v57, v12;
	[tilespmem:s21+$0x4C40] =	vst v63  }
0x10c: {  	v20 =	vld [tilespmem:s21+$0x1040];
	v19 =	vmul.f32 v60, v12;
	[tilespmem:s21+$0x4C50] =	vst v14  }
0x10d: {  	v23 =	vld [tilespmem:s21+$0x1050];
	v22 =	vbroadcast v1, $0x9;
	v21 =	vmul.f32 v62, v17;
	[tilespmem:s21+$0x4C60] =	vst v16  }
0x10e: {  	v25 =	vld [tilespmem:s21+$0x1060];
	v24 =	vmul.f32 v13, v17;
	[tilespmem:s21+$0x4C70] =	vst v19  }
0x10f: {  	v33 =	vld [tilespmem:s21+$0x1410];
	v27 =	vbroadcast v1, $0xA;
	v26 =	vmul.f32 v15, v22;
	[tilespmem:s21+$0x5000] =	vst v21  }
0x110: {  	v28 =	vld [tilespmem:s21+$0x1070];
	v29 =	vmul.f32 v18, v22;
	[tilespmem:s21+$0x5010] =	vst v24  }
0x111: {  	v30 =	vld [tilespmem:s21+$0x1400];
	v32 =	vbroadcast v1, $0xB;
	v31 =	vmul.f32 v20, v27;
	[tilespmem:s21+$0x5020] =	vst v26  }
0x112: {  	v35 =	vld [tilespmem:s21+$0x1420];
	v37 =	vbroadcast v1, $0xC;
	v34 =	vmul.f32 v23, v27;
	[tilespmem:s21+$0x5030] =	vst v29  }
0x113: {  	v36 =	vmul.f32 v25, v32;
	v38 =	vld [tilespmem:s21+$0x1430];
	[tilespmem:s21+$0x5040] =	vst v31  }
0x114: {  	v40 =	vld [tilespmem:s21+$0x1440];
	v44 =	vmul.f32 v33, v37;
	[tilespmem:s21+$0x5050] =	vst v34  }
0x115: {  	v42 =	vbroadcast v1, $0xD;
	v45 =	vld [tilespmem:s21+$0x1460];
	v39 =	vmul.f32 v28, v32;
	[tilespmem:s21+$0x5060] =	vst v36  }
0x116: {  	v50 =	vld [tilespmem:s21+$0x1800];
	v41 =	vmul.f32 v30, v37;
	[tilespmem:s21+$0x5410] =	vst v44  }
0x117: {  	v47 =	vbroadcast v1, $0xE;
	v52 =	vld [tilespmem:s21+$0x1810];
	v46 =	vmul.f32 v35, v42;
	[tilespmem:s21+$0x5070] =	vst v39  }
0x118: {  	v1 =	vbroadcast v1, $0xF;
	v54 =	vld [tilespmem:s21+$0x1820];
	[tilespmem:s21+$0x5400] =	vst v41;
	v49 =	vmul.f32 v38, v42  }
0x119: {  	v57 =	vld [tilespmem:s21+$0x1830];
	v56 =	vbroadcast v0, $0x0;
	[tilespmem:s21+$0x5420] =	vst v46;
	v51 =	vmul.f32 v40, v47  }
0x11a: {  	v43 =	vld [tilespmem:s21+$0x1450];
	v55 =	vmul.f32 v45, v1;
	[tilespmem:s21+$0x5430] =	vst v49  }
0x11b: {  	v60 =	vbroadcast v0, $0x1;
	v48 =	vld [tilespmem:s21+$0x1470];
	v59 =	vmul.f32 v50, v56;
	[tilespmem:s21+$0x5440] =	vst v51  }
0x11c: {  	v58 =	vld [tilespmem:s21+$0x1840];
	v62 =	vmul.f32 v52, v56;
	[tilespmem:s21+$0x5460] =	vst v55  }
0x11d: {  	v61 =	vld [tilespmem:s21+$0x1850];
	v12 =	vmul.f32 v54, v60;
	[tilespmem:s21+$0x5800] =	vst v59  }
0x11e: {  	v63 =	vld [tilespmem:s21+$0x1860];
	v15 =	vmul.f32 v57, v60;
	[tilespmem:s21+$0x5810] =	vst v62  }
0x11f: {  	v13 =	vbroadcast v0, $0x2;
	v14 =	vld [tilespmem:s21+$0x1870];
	v53 =	vmul.f32 v43, v47;
	[tilespmem:s21+$0x5820] =	vst v12  }
0x120: {  	v16 =	vld [tilespmem:s21+$0x1C00];
	v1 =	vmul.f32 v48, v1;
	[tilespmem:s21+$0x5830] =	vst v15  }
0x121: {  	v18 =	vbroadcast v0, $0x3;
	v19 =	vld [tilespmem:s21+$0x1C10];
	v17 =	vmul.f32 v58, v13;
	[tilespmem:s21+$0x5450] =	vst v53  }
0x122: {  	v21 =	vld [tilespmem:s21+$0x1C20];
	v20 =	vmul.f32 v61, v13;
	[tilespmem:s21+$0x5470] =	vst v1  }
0x123: {  	v23 =	vbroadcast v0, $0x4;
	v24 =	vld [tilespmem:s21+$0x1C30];
	v22 =	vmul.f32 v63, v18;
	[tilespmem:s21+$0x5840] =	vst v17  }
0x124: {  	v26 =	vld [tilespmem:s21+$0x1C40];
	v25 =	vmul.f32 v14, v18;
	[tilespmem:s21+$0x5850] =	vst v20  }
0x125: {  	v28 =	vbroadcast v0, $0x5;
	v29 =	vld [tilespmem:s21+$0x1C50];
	v27 =	vmul.f32 v16, v23;
	[tilespmem:s21+$0x5860] =	vst v22  }
0x126: {  	v31 =	vld [tilespmem:s21+$0x1C60];
	v30 =	vmul.f32 v19, v23;
	[tilespmem:s21+$0x5870] =	vst v25  }
0x127: {  	v33 =	vbroadcast v0, $0x6;
	v34 =	vld [tilespmem:s21+$0x1C70];
	v32 =	vmul.f32 v21, v28;
	[tilespmem:s21+$0x5C00] =	vst v27  }
0x128: {  	v36 =	vld [tilespmem:s21+$0x2000];
	v35 =	vmul.f32 v24, v28;
	[tilespmem:s21+$0x5C10] =	vst v30  }
0x129: {  	v39 =	vld [tilespmem:s21+$0x2010];
	v38 =	vbroadcast v0, $0x7;
	v37 =	vmul.f32 v26, v33;
	[tilespmem:s21+$0x5C20] =	vst v32  }
0x12a: {  	v41 =	vld [tilespmem:s21+$0x2020];
	v40 =	vmul.f32 v29, v33;
	[tilespmem:s21+$0x5C30] =	vst v35  }
0x12b: {  	v44 =	vld [tilespmem:s21+$0x2030];
	v42 =	vmul.f32 v31, v38;
	v43 =	vbroadcast v0, $0x8;
	[tilespmem:s21+$0x5C40] =	vst v37  }
0x12c: {  	v54 =	vld [tilespmem:s21+$0x2070];
	v45 =	vmul.f32 v34, v38;
	[tilespmem:s21+$0x5C50] =	vst v40  }
0x12d: {  	v46 =	vld [tilespmem:s21+$0x2040];
	v48 =	vbroadcast v0, $0x9;
	[tilespmem:s21+$0x5C60] =	vst v42;
	v47 =	vmul.f32 v36, v43  }
0x12e: {  	v49 =	vld [tilespmem:s21+$0x2050];
	[tilespmem:s21+$0x5C70] =	vst v45;
	v50 =	vmul.f32 v39, v43  }
0x12f: {  	v57 =	vbroadcast v0, $0xB;
	v51 =	vld [tilespmem:s21+$0x2060];
	v52 =	vmul.f32 v41, v48;
	[tilespmem:s21+$0x6000] =	vst v47  }
0x130: {  	v53 =	vbroadcast v0, $0xA;
	v55 =	vmul.f32 v44, v48;
	[tilespmem:s21+$0x6010] =	vst v50  }
0x131: {  	v60 =	vmul.f32 v54, v57;
	[tilespmem:s21+$0x6020] =	vst v52  }
0x132: {  	v56 =	vmul.f32 v46, v53;
	[tilespmem:s21+$0x6030] =	vst v55  }
0x133: {  	v58 =	vmul.f32 v49, v53;
	[tilespmem:s21+$0x6070] =	vst v60  }
0x134: {  	v59 =	vmul.f32 v51, v57;
	[tilespmem:s21+$0x6040] =	vst v56  }
0x135: {  	[tilespmem:s21+$0x6050] =	vst v58  }
0x136: {  	s23 =	sor.u32 $0x1C00, s20;
	[tilespmem:s21+$0x6060] =	vst v59  }
0x137: {  	v1 =	vld [tilespmem:s23+$0x800];
	_ =	sdelay $0x2  }
0x138: {  	v61 =	vbroadcast v0, $0xC;
	_ =	sdelay $0x1  }
0x139: {  	v1 =	vmul.f32 v1, v61;
	_ =	sdelay $0x1  }
0x13a: {  	s24 =	sor.u32 $0x1C10, s20;
	[tilespmem:s23+$0x4800] =	vst v1  }
0x13b: {  	v1 =	vld [tilespmem:s24+$0x800];
	_ =	sdelay $0x4  }
0x13c: {  	v1 =	vmul.f32 v1, v61;
	_ =	sdelay $0x1  }
0x13d: {  	s25 =	sor.u32 $0x1C20, s20;
	[tilespmem:s24+$0x4800] =	vst v1  }
0x13e: {  	v1 =	vld [tilespmem:s25+$0x800];
	_ =	sdelay $0x2  }
0x13f: {  	v62 =	vbroadcast v0, $0xD;
	_ =	sdelay $0x1  }
0x140: {  	v1 =	vmul.f32 v1, v62;
	_ =	sdelay $0x1  }
0x141: {  	s26 =	sor.u32 $0x1C30, s20;
	[tilespmem:s25+$0x4800] =	vst v1  }
0x142: {  	v1 =	vld [tilespmem:s26+$0x800];
	_ =	sdelay $0x4  }
0x143: {  	v1 =	vmul.f32 v1, v62;
	_ =	sdelay $0x1  }
0x144: {  	s28 =	sor.u32 $0x1C40, s20;
	[tilespmem:s26+$0x4800] =	vst v1  }
0x145: {  	v1 =	vld [tilespmem:s28+$0x800];
	_ =	sdelay $0x2  }
0x146: {  	v63 =	vbroadcast v0, $0xE;
	_ =	sdelay $0x1  }
0x147: {  	v1 =	vmul.f32 v1, v63;
	_ =	sdelay $0x1  }
0x148: {  	s29 =	sor.u32 $0x1C50, s20;
	[tilespmem:s28+$0x4800] =	vst v1  }
0x149: {  	v1 =	vld [tilespmem:s29+$0x800];
	_ =	sdelay $0x4  }
0x14a: {  	v1 =	vmul.f32 v1, v63;
	_ =	sdelay $0x1  }
0x14b: {  	s30 =	sor.u32 $0x1C60, s20;
	[tilespmem:s29+$0x4800] =	vst v1  }
0x14c: {  	v1 =	vld [tilespmem:s30+$0x800];
	_ =	sdelay $0x2  }
0x14d: {  	v0 =	vbroadcast v0, $0xF;
	_ =	sdelay $0x1  }
0x14e: {  	v1 =	vmul.f32 v1, v0;
	_ =	sdelay $0x1  }
0x14f: {  	s31 =	sor.u32 $0x1C70, s20;
	[tilespmem:s30+$0x4800] =	vst v1  }
0x150: {  	v1 =	vld [tilespmem:s31+$0x800];
	_ =	sdelay $0x1  }
0x151: {  	p0 =	sne.s32 s18, $0xE00  }
.Ltmp1:
0x152: {  	_ = 	snop;
	(pc) =	sbr.rel @p0 .LBB2_4-.Ltmp1, $3  }
0x153: {  	_ = 	snop  }
0x154: {  	v0 =	vmul.f32 v1, v0;
	_ =	sdelay $0x1  }
0x155: {  	s20 =	sadd.s32 $0x480, s20;
	s19 =	sadd.s32 $0x400, s19;
	s18 =	sadd.s32 $0x200, s18;
	[tilespmem:s31+$0x4800] =	vst v0  }
0x156: {  	_ =	swait.ge [sflag:s15], $0x2000;
	s17 =	sadd.s32 $0x1, s17  }
0x157: {  	[sflag:s15] =	ssyncset.done $0x0;
	p0 =	sne.s32 s17, s8  }
.Ltmp2:
0x158: {  	[sflag:s15] =	ssyncadd.s32 $0xFFFFE000;
	(pc) =	sbr.rel @p0 .LBB2_1-.Ltmp2, $4  }
0x159: {  	[hbm4b:s7+s2] =	stream.linear.scatter [tilespmem:s16], [sflag:$0x4], $0x2000, $0x38;
	[tilespmem:$0x8800] =	vst v63  }
0x15a: {  	_ =	swait.ge [sflag:s11], $0x2000  }
0x15b: {  	[sflag:s11] =	ssyncset.done $0x0  }
0x15c: {  	[sflag:s11] =	ssyncadd.s32 $0xFFFFE000  }
0x15d: {  	_ =	sfence.sel $0x180000  }
0x15e: {  	[bflag:$0x0] =	sbarrier.arrive $0xFFFF  }
0x15f: {  	p0 =	sne.s32 s1, $0x0;
	_ =	strace $0x90000047  }
0x160: {  	s0 =	sadd.s32 @!p0 $0x100000, s0;
	[bflag:$0x2] =	sbarrier.arrive $0xFFFF  }
0x161: {  	[sflag:s0] =	ssyncadd.tile.s32 @!p0 $0x1;
	_ =	shalt  }
.Lfunc_end2:
_tile_overlayer_lowered:
.L_overlay_start_2:
0x162: {  	(tag) =	ssettag $0x2  }
0x163: {  	s0 =	rddreg [dreg:$0x0];
	s2 =	stileid.u32  }
0x164: {  	s1 =	rddreg [dreg:$0x1];
	p0 =	sne.s32 s2, $0x0  }
0x165: {  	s3 =	rddreg [dreg:$0x2];
	[bflag:$0x3] =	sbarrier.arrive $0xFFFF;
	s2 =	simm.s32 @!p0 $0x1C04  }
0x166: {  	[timem:s3], [sflag:s2] =	dma.local @!p0 [hbm:s0], s1  }
0x167: {  	s0 =	simm.s32 @!p0 $0x4  }
0x168: {  	_ =	swait.ge @!p0 [sflag:s0], s1  }
0x169: {  	s1 =	ssub.s32 @!p0 $0x0, s1;
	[sflag:s0] =	ssyncset.done @!p0 $0x0  }
0x16a: {  	[sflag:s0] =	ssyncadd.s32 @!p0 s1  }
0x16b: {  	[bflag:$0x3] =	sbarrier.arrive $0xFFFF  }
0x16c: {  	_ =	shalt  }

</sc_bundles>
